<compile_context>
chip_gen: v7x
topology: tpu7x:2x2x1
jax: 0.10.2.dev20260603
libtpu: 0.0.44.dev20260713+nightly
codegen_flags: <defaults>
</compile_context>

<pallas_src>
import functools

import jax
import jax.numpy as jnp
from jax import lax
from jax.experimental import pallas as pl
from jax.experimental.pallas import tpu as pltpu
from jax.experimental.pallas import tpu_sc as plsc

NEG_INF = -1e30
OC = 16


def _gating_kernel(x_ref, gw_ref, gb_ref, s0_ref, s1_ref, g0_ref, g1_ref,
                   wle_ref, wlcb_ref, na_ref, aux_ref, prefix_s, imp_s, load_s,
                   *, n_e, n_nb, bn, cap, bn_e, maxb):
    nb = pl.program_id(0)

    @pl.when(nb == 0)
    def _init():
        prefix_s[...] = jnp.zeros_like(prefix_s)
        imp_s[...] = jnp.zeros_like(imp_s)
        load_s[...] = jnp.zeros_like(load_s)

    logits = jnp.dot(x_ref[...], gw_ref[...], preferred_element_type=jnp.float32)
    logits = logits + gb_ref[...]
    col = lax.broadcasted_iota(jnp.int32, logits.shape, 1)
    m1 = jnp.max(logits, axis=1, keepdims=True)
    am1 = jnp.min(jnp.where(logits == m1, col, n_e), axis=1, keepdims=True)
    masked = jnp.where(col == am1, NEG_INF, logits)
    m2 = jnp.max(masked, axis=1, keepdims=True)
    am2 = jnp.min(jnp.where(masked == m2, col, n_e), axis=1, keepdims=True)
    e2 = jnp.exp(m2 - m1)
    denom = 1.0 + e2
    g1 = 1.0 / denom
    g2 = e2 / denom
    is1 = col == am1
    is2 = col == am2
    gates = jnp.where(is1, g1, jnp.where(is2, g2, 0.0))
    assign = jnp.where(is1 | is2, 1.0, 0.0)

    ir = lax.broadcasted_iota(jnp.int32, (bn, bn), 0)
    ic = lax.broadcasted_iota(jnp.int32, (bn, bn), 1)
    tril = (ir > ic).astype(jnp.float32)
    rank_blk = jnp.dot(tril, assign, preferred_element_type=jnp.float32)
    cum = prefix_s[...] + rank_blk
    rank0 = jnp.sum(jnp.where(is1, cum, 0.0), axis=1, keepdims=True)
    rank1 = jnp.sum(jnp.where(is2, cum, 0.0), axis=1, keepdims=True)
    s0_ref[...] = am1 * cap + rank0.astype(jnp.int32)
    s1_ref[...] = am2 * cap + rank1.astype(jnp.int32)
    g0_ref[...] = jnp.broadcast_to(g1, (bn, 16))
    g1_ref[...] = jnp.broadcast_to(g2, (bn, 16))

    prefix_s[...] = prefix_s[...] + jnp.sum(assign, axis=0, keepdims=True)
    imp_s[...] = imp_s[...] + jnp.sum(gates, axis=0, keepdims=True)
    load_s[...] = load_s[...] + jnp.sum((gates > 0.0).astype(jnp.float32),
                                        axis=0, keepdims=True)

    @pl.when(nb == n_nb - 1)
    def _final():
        cnts = prefix_s[...].astype(jnp.int32)
        nblk = (cnts + bn_e - 1) // bn_e
        ecol = lax.broadcasted_iota(jnp.int32, (1, n_e), 1)
        er = lax.broadcasted_iota(jnp.int32, (n_e, n_e), 0)
        ec = lax.broadcasted_iota(jnp.int32, (n_e, n_e), 1)
        triu = (er < ec).astype(jnp.float32)
        estart = jnp.dot(nblk.astype(jnp.float32), triu,
                         preferred_element_type=jnp.float32).astype(jnp.int32)
        p = lax.broadcasted_iota(jnp.int32, (maxb, n_e), 0)
        match = (p >= estart) & (p < estart + nblk)
        wle = jnp.sum(jnp.where(match, ecol, 0), axis=1)
        wlcb = jnp.sum(jnp.where(match, p - estart, 0), axis=1)
        wle_ref[...] = wle[None, :]
        wlcb_ref[...] = wlcb[None, :]
        na_ref[...] = jnp.sum(nblk, axis=1, keepdims=True)

        def std_over_mean(v):
            mean = jnp.mean(v, axis=1, keepdims=True)
            var = jnp.sum((v - mean) ** 2, axis=1, keepdims=True) / (n_e - 1)
            return jnp.sqrt(var) / (mean + 1e-8)

        aux_ref[...] = std_over_mean(imp_s[...]) + std_over_mean(load_s[...])


def _expert_kernel(wle_ref, wlcb_ref, na_ref, xg_ref, w1_ref, b1_ref,
                   w2_ref, b2_ref, wh_ref, bh_ref, pc_ref, *, bn, n_out):
    p = pl.program_id(0)
    active = p < na_ref[0]

    @pl.when(active)
    def _compute():
        xb = xg_ref[...]
        h = jnp.maximum(jnp.dot(xb, w1_ref[0], preferred_element_type=jnp.float32)
                        + b1_ref[0], 0.0)
        h = jnp.maximum(jnp.dot(h, w2_ref[0], preferred_element_type=jnp.float32)
                        + b2_ref[0], 0.0)
        heads = jnp.dot(h, wh_ref[0], preferred_element_type=jnp.float32) + bh_ref[0]
        hc = lax.broadcasted_iota(jnp.int32, heads.shape, 1)
        is_p = hc < n_out
        plog = jnp.where(is_p, heads, NEG_INF)
        pm = jnp.max(plog, axis=1, keepdims=True)
        pe = jnp.where(is_p, jnp.exp(plog - pm), 0.0)
        p_hat = pe / jnp.sum(pe, axis=1, keepdims=True)
        a = heads[:, n_out:n_out + 1]
        a = jnp.log1p(jnp.exp(-jnp.abs(a))) + jnp.maximum(a, 0.0) + 10.0
        alpha = jnp.clip(a, 1.0, 500.0)
        psum7 = jnp.sum(jnp.where(is_p, p_hat, 0.0), axis=1, keepdims=True)
        oc2 = lax.broadcasted_iota(jnp.int32, (bn, 128), 1)
        row = jnp.where(oc2 < n_out, jnp.pad(p_hat, ((0, 0), (0, 128 - OC))),
                        jnp.where(oc2 == n_out,
                                  jnp.broadcast_to(alpha, (bn, 128)),
                                  jnp.where((oc2 >= 16) & (oc2 < 32),
                                            jnp.broadcast_to(psum7, (bn, 128)),
                                            0.0)))
        pc_ref[...] = row


def _make_sc_kernels(n, d, n_e, cap):
    info = plsc.get_sparse_core_info()
    nw = info.num_cores * info.num_subcores
    tpw = n // nw
    mesh = plsc.VectorSubcoreMesh(core_axis_name="c", subcore_axis_name="s")

    @functools.partial(
        pl.kernel, mesh=mesh,
        out_type=jax.ShapeDtypeStruct((n_e * cap, d), jnp.float32),
        scratch_types=[
            pltpu.VMEM((tpw,), jnp.int32),
            pltpu.VMEM((tpw,), jnp.int32),
            pltpu.VMEM((tpw, d), jnp.float32),
            pltpu.SemaphoreType.DMA,
        ],
    )
    def dispatch(x_hbm, s0_hbm, s1_hbm, xg_hbm, s0_v, s1_v, xv, sem):
        wid = lax.axis_index("s") * info.num_cores + lax.axis_index("c")
        base = wid * tpw
        pltpu.sync_copy(s0_hbm.at[pl.ds(base, tpw)], s0_v)
        pltpu.sync_copy(s1_hbm.at[pl.ds(base, tpw)], s1_v)
        pltpu.sync_copy(x_hbm.at[pl.ds(base, tpw)], xv)
        cp0 = pltpu.async_copy(xv, xg_hbm.at[s0_v], sem)
        cp1 = pltpu.async_copy(xv, xg_hbm.at[s1_v], sem)
        cp0.wait()
        cp1.wait()

    @functools.partial(
        pl.kernel, mesh=mesh,
        out_type=jax.ShapeDtypeStruct((n, OC), jnp.float32),
        scratch_types=[
            pltpu.VMEM((tpw,), jnp.int32),
            pltpu.VMEM((tpw,), jnp.int32),
            pltpu.VMEM((tpw, 128), jnp.float32),
            pltpu.VMEM((tpw, 128), jnp.float32),
            pltpu.VMEM((tpw, OC), jnp.float32),
            pltpu.VMEM((tpw, OC), jnp.float32),
            pltpu.VMEM((tpw, OC), jnp.float32),
            pltpu.SemaphoreType.DMA,
        ],
    )
    def combine(pc_hbm, s0_hbm, s1_hbm, g0_hbm, g1_hbm, y_hbm,
                s0_v, s1_v, a_v, b_v, g0_v, g1_v, out_v, sem):
        wid = lax.axis_index("s") * info.num_cores + lax.axis_index("c")
        base = wid * tpw
        pltpu.sync_copy(s0_hbm.at[pl.ds(base, tpw)], s0_v)
        pltpu.sync_copy(s1_hbm.at[pl.ds(base, tpw)], s1_v)
        pltpu.sync_copy(g0_hbm.at[pl.ds(base, tpw)], g0_v)
        pltpu.sync_copy(g1_hbm.at[pl.ds(base, tpw)], g1_v)
        cpa = pltpu.async_copy(pc_hbm.at[s0_v], a_v, sem)
        cpb = pltpu.async_copy(pc_hbm.at[s1_v], b_v, sem)
        cpa.wait()
        cpb.wait()
        lane = lax.iota(jnp.int32, 16)

        def body(j, carry):
            r = g0_v[j, 0:16] * a_v[j, 0:16] + g1_v[j, 0:16] * b_v[j, 0:16]
            psum = g0_v[j, 0:16] * a_v[j, 16:32] + g1_v[j, 0:16] * b_v[j, 16:32]
            out_v[j, :] = jnp.where(lane < 7, r / (psum + 1e-8), r)
            return carry

        lax.fori_loop(0, tpw, body, 0)
        pltpu.sync_copy(out_v, y_hbm.at[pl.ds(base, tpw)])

    return dispatch, combine


@jax.jit
def kernel(x, gate_W, gate_b, W1, b1, W2, b2, Wp, bp, Wa, ba):
    n, d = x.shape
    n_e = W1.shape[0]
    h_dim = W1.shape[2]
    n_out = Wp.shape[2]
    cap = n

    zpad = jnp.zeros((n_e, h_dim, OC - n_out - 1), jnp.float32)
    wh = jnp.concatenate([Wp, Wa, zpad], axis=2)
    bh = jnp.concatenate([bp, ba, jnp.zeros((n_e, OC - n_out - 1),
                                            jnp.float32)], axis=1)

    bn_g = min(512, n)
    n_nb = n // bn_g
    bn_e = 512
    ncb = cap // bn_e
    maxb = cap * 2 // bn_e + n_e
    s0, s1, g0, g1, wle, wlcb, na, aux = pl.pallas_call(
        functools.partial(_gating_kernel, n_e=n_e, n_nb=n_nb, bn=bn_g, cap=cap,
                          bn_e=bn_e, maxb=maxb),
        grid=(n_nb,),
        in_specs=[
            pl.BlockSpec((bn_g, d), lambda nb: (nb, 0)),
            pl.BlockSpec((d, n_e), lambda nb: (0, 0)),
            pl.BlockSpec((1, n_e), lambda nb: (0, 0)),
        ],
        out_specs=[
            pl.BlockSpec((bn_g, 1), lambda nb: (nb, 0)),
            pl.BlockSpec((bn_g, 1), lambda nb: (nb, 0)),
            pl.BlockSpec((bn_g, 16), lambda nb: (nb, 0)),
            pl.BlockSpec((bn_g, 16), lambda nb: (nb, 0)),
            pl.BlockSpec((1, maxb), lambda nb: (0, 0)),
            pl.BlockSpec((1, maxb), lambda nb: (0, 0)),
            pl.BlockSpec((1, 1), lambda nb: (0, 0)),
            pl.BlockSpec((1, 1), lambda nb: (0, 0)),
        ],
        out_shape=[
            jax.ShapeDtypeStruct((n, 1), jnp.int32),
            jax.ShapeDtypeStruct((n, 1), jnp.int32),
            jax.ShapeDtypeStruct((n, 16), jnp.float32),
            jax.ShapeDtypeStruct((n, 16), jnp.float32),
            jax.ShapeDtypeStruct((1, maxb), jnp.int32),
            jax.ShapeDtypeStruct((1, maxb), jnp.int32),
            jax.ShapeDtypeStruct((1, 1), jnp.int32),
            jax.ShapeDtypeStruct((1, 1), jnp.float32),
        ],
        scratch_shapes=[
            pltpu.VMEM((1, n_e), jnp.float32),
            pltpu.VMEM((1, n_e), jnp.float32),
            pltpu.VMEM((1, n_e), jnp.float32),
        ],
    )(x, gate_W, gate_b.reshape(1, n_e))

    s0f = s0.reshape(n)
    s1f = s1.reshape(n)

    dispatch, combine = _make_sc_kernels(n, d, n_e, cap)

    xg = dispatch(x, s0f, s1f)

    def clampi(p, na_r):
        return jnp.minimum(p, na_r[0] - 1)

    def xg_idx(p, wle_r, wlcb_r, na_r):
        i = clampi(p, na_r)
        return (wle_r[i] * ncb + wlcb_r[i], 0)

    def w_idx(p, wle_r, wlcb_r, na_r):
        return (wle_r[clampi(p, na_r)], 0, 0)

    grid_spec = pltpu.PrefetchScalarGridSpec(
        num_scalar_prefetch=3,
        grid=(maxb,),
        in_specs=[
            pl.BlockSpec((bn_e, d), xg_idx),
            pl.BlockSpec((1, d, h_dim), w_idx),
            pl.BlockSpec((1, 1, h_dim), w_idx),
            pl.BlockSpec((1, h_dim, h_dim), w_idx),
            pl.BlockSpec((1, 1, h_dim), w_idx),
            pl.BlockSpec((1, h_dim, OC), w_idx),
            pl.BlockSpec((1, 1, OC), w_idx),
        ],
        out_specs=pl.BlockSpec((bn_e, 128), xg_idx),
    )
    pc = pl.pallas_call(
        functools.partial(_expert_kernel, bn=bn_e, n_out=n_out),
        grid_spec=grid_spec,
        out_shape=jax.ShapeDtypeStruct((n_e * cap, 128), jnp.float32),
    )(wle.reshape(maxb), wlcb.reshape(maxb), na.reshape(1),
      xg, W1, b1[:, None, :], W2, b2[:, None, :], wh, bh[:, None, :])

    y = combine(pc, s0f, s1f, g0, g1)

    return y[:, :n_out], y[:, n_out], aux[0, 0]

# --- scband reference (transcript-rebuilt; emitter-appended) ---
"""Pipeline reference for scband-dirichlet-mo-e-37718402793510 (READ-ONLY COPY).

The authoritative reference and input builder live on the scoring server;
editing this copy changes nothing except your own understanding.
"""

import jax, jax.numpy as jnp
import numpy as np

N = 2048
D = 1024
H = 1024
O = 7
E = 8
K = 2
ALPHA0_INIT = 10.0
ALPHA0_MAX = 500.0
ALPHA0_MIN = 1.0


def setup_inputs(seed: int = 0) -> dict:
    key = jax.random.key(seed)
    ks = jax.random.split(key, 12)
    s_d = 1.0 / np.sqrt(D)
    s_h = 1.0 / np.sqrt(H)
    inp = {
        'x': jax.random.normal(ks[0], (N, D), dtype=jnp.float32),
        'gate_W': jax.random.uniform(ks[1], (D, E), dtype=jnp.float32, minval=-s_d, maxval=s_d),
        'gate_b': jax.random.uniform(ks[2], (E,), dtype=jnp.float32, minval=-s_d, maxval=s_d),
        'W1': jax.random.uniform(ks[3], (E, D, H), dtype=jnp.float32, minval=-s_d, maxval=s_d),
        'b1': jax.random.uniform(ks[4], (E, H), dtype=jnp.float32, minval=-s_d, maxval=s_d),
        'W2': jax.random.uniform(ks[5], (E, H, H), dtype=jnp.float32, minval=-s_h, maxval=s_h),
        'b2': jax.random.uniform(ks[6], (E, H), dtype=jnp.float32, minval=-s_h, maxval=s_h),
        'Wp': jax.random.uniform(ks[7], (E, H, O), dtype=jnp.float32, minval=-s_h, maxval=s_h),
        'bp': jax.random.uniform(ks[8], (E, O), dtype=jnp.float32, minval=-s_h, maxval=s_h),
        'Wa': jax.random.uniform(ks[9], (E, H, 1), dtype=jnp.float32, minval=-s_h, maxval=s_h),
        'ba': jax.random.uniform(ks[10], (E, 1), dtype=jnp.float32, minval=-s_h, maxval=s_h),
    }
    return inp


def reference(x, gate_W, gate_b, W1, b1, W2, b2, Wp, bp, Wa, ba):
    # --- noisy_top_k_gating (noisy_gating=False so no noise branch) ---
    clean_logits = x @ gate_W + gate_b  # [N, E]
    noisy_logits = clean_logits
    top_k_logits, top_k_indices = jax.lax.top_k(noisy_logits, K)
    top_k_gates = jax.nn.softmax(top_k_logits, axis=-1)
    rows = jnp.arange(N)[:, None]
    gates = jnp.zeros_like(noisy_logits).at[rows, top_k_indices].set(top_k_gates)
    importance = gates.sum(axis=0)
    load = (gates > 0).astype(jnp.float32).sum(axis=0)
    aux_loss = jnp.std(importance, ddof=1) / (importance.mean() + 1e-08) + jnp.std(load, ddof=1) / (load.mean() + 1e-08)

    # --- all experts (vectorized over E, same math as the python loop) ---
    h = jax.nn.relu(jnp.einsum('nd,edh->enh', x, W1) + b1[:, None, :])
    h = jax.nn.relu(jnp.einsum('enh,ehg->eng', h, W2) + b2[:, None, :])
    p_logits = jnp.einsum('enh,eho->eno', h, Wp) + bp[:, None, :]
    expert_p_hats = jax.nn.softmax(p_logits, axis=-1)  # [E, N, O]
    a_raw = jax.nn.softplus(jnp.einsum('enh,eho->eno', h, Wa) + ba[:, None, :]) + ALPHA0_INIT
    expert_alpha0s = jnp.clip(a_raw, ALPHA0_MIN, ALPHA0_MAX)[..., 0]  # [E, N]

    # --- weighted combination ---
    gates_t = gates.T  # [E, N]
    p_hat = (gates_t[:, :, None] * expert_p_hats).sum(axis=0)  # [N, O]
    alpha0 = (gates_t * expert_alpha0s).sum(axis=0)  # [N]
    p_hat = p_hat / (p_hat.sum(axis=-1, keepdims=True) + 1e-08)
    return (p_hat, alpha0, aux_loss)

if __name__ == "__main__":
    import jax
    _d = setup_inputs()
    print(jax.jit(kernel)(*tuple(_d.values())))

</pallas_src>

<mosaic_0001>
#map = affine_map<(d0, d1) -> (0, 0)>
#map1 = affine_map<(d0, d1) -> (0)>
module attributes {stable_mosaic.version = 14 : i64} {
  func.func @dispatch(%arg0: i32, %arg1: i32, %arg2: memref<2048x1024xf32, #tpu.memory_space<hbm>>, %arg3: memref<2048xi32, #tpu.memory_space<hbm>>, %arg4: memref<2048xi32, #tpu.memory_space<hbm>>, %arg5: memref<16384x1024xf32, #tpu.memory_space<hbm>>, %arg6: memref<64xi32, #tpu.memory_space<vmem>>, %arg7: memref<64xi32, #tpu.memory_space<vmem>>, %arg8: memref<64x1024xf32, #tpu.memory_space<vmem>>, %arg9: memref<!tpu.dma_semaphore, #tpu.memory_space<semaphore_mem>>) attributes {dimension_semantics = [#tpu.dimension_semantics<core_parallel>, #tpu.dimension_semantics<subcore_parallel>], iteration_bounds = array<i64: 2, 16>, scalar_prefetch = 0 : i64, scratch_operands = 4 : i64, tpu.core_type = #tpu.core_type<sc_vector_subcore>, window_params = [{transform_indices = #map}, {transform_indices = #map1}, {transform_indices = #map1}, {transform_indices = #map}]} {
    %mul3A = arith.constant 2 : i32
    %mul3A_0 = arith.muli %arg1, %mul3A : i32
    %add3A = arith.addi %mul3A_0, %arg0 : i32
    %mul3A_1 = arith.constant 64 : i32
    %mul3A_2 = arith.muli %add3A, %mul3A_1 : i32
    "tpu.region"() ({
      %run_scoped3A = tpu.sem_alloc : memref<!tpu.dma_semaphore, #tpu.memory_space<semaphore_mem>>
      %dma_start3A_13 = tpu.memref_slice %arg3[%mul3A_2] : memref<2048xi32, #tpu.memory_space<hbm>> -> memref<64xi32, #tpu.memory_space<hbm>>
      %dma_start3A_14 = tpu.memref_slice %arg3[%mul3A_2] : memref<2048xi32, #tpu.memory_space<hbm>> -> memref<64xi32, #tpu.memory_space<hbm>>
      tpu.enqueue_dma source(%dma_start3A_14 : memref<64xi32, #tpu.memory_space<hbm>>) target(%arg6 : memref<64xi32, #tpu.memory_space<vmem>>) target_semaphore(%run_scoped3A : memref<!tpu.dma_semaphore, #tpu.memory_space<semaphore_mem>>)
      %dma_wait3A_15 = tpu.memref_slice %arg3[%mul3A_2] : memref<2048xi32, #tpu.memory_space<hbm>> -> memref<64xi32, #tpu.memory_space<hbm>>
      %dma_wait3A_16 = tpu.memref_slice %arg3[%mul3A_2] : memref<2048xi32, #tpu.memory_space<hbm>> -> memref<64xi32, #tpu.memory_space<hbm>>
      tpu.wait_dma2 semaphore(%run_scoped3A : memref<!tpu.dma_semaphore, #tpu.memory_space<semaphore_mem>>) src(%dma_wait3A_16 : memref<64xi32, #tpu.memory_space<hbm>>) dst(%arg6 : memref<64xi32, #tpu.memory_space<vmem>>)
      tpu.yield
    }) : () -> ()
    "tpu.region"() ({
      %run_scoped3A = tpu.sem_alloc : memref<!tpu.dma_semaphore, #tpu.memory_space<semaphore_mem>>
      %dma_start3A_13 = tpu.memref_slice %arg4[%mul3A_2] : memref<2048xi32, #tpu.memory_space<hbm>> -> memref<64xi32, #tpu.memory_space<hbm>>
      %dma_start3A_14 = tpu.memref_slice %arg4[%mul3A_2] : memref<2048xi32, #tpu.memory_space<hbm>> -> memref<64xi32, #tpu.memory_space<hbm>>
      tpu.enqueue_dma source(%dma_start3A_14 : memref<64xi32, #tpu.memory_space<hbm>>) target(%arg7 : memref<64xi32, #tpu.memory_space<vmem>>) target_semaphore(%run_scoped3A : memref<!tpu.dma_semaphore, #tpu.memory_space<semaphore_mem>>)
      %dma_wait3A_15 = tpu.memref_slice %arg4[%mul3A_2] : memref<2048xi32, #tpu.memory_space<hbm>> -> memref<64xi32, #tpu.memory_space<hbm>>
      %dma_wait3A_16 = tpu.memref_slice %arg4[%mul3A_2] : memref<2048xi32, #tpu.memory_space<hbm>> -> memref<64xi32, #tpu.memory_space<hbm>>
      tpu.wait_dma2 semaphore(%run_scoped3A : memref<!tpu.dma_semaphore, #tpu.memory_space<semaphore_mem>>) src(%dma_wait3A_16 : memref<64xi32, #tpu.memory_space<hbm>>) dst(%arg7 : memref<64xi32, #tpu.memory_space<vmem>>)
      tpu.yield
    }) : () -> ()
    "tpu.region"() ({
      %run_scoped3A = tpu.sem_alloc : memref<!tpu.dma_semaphore, #tpu.memory_space<semaphore_mem>>
      %dma_start3A_13 = arith.constant 0 : i32
      %dma_start3A_14 = tpu.memref_slice %arg2[%mul3A_2, %dma_start3A_13] : memref<2048x1024xf32, #tpu.memory_space<hbm>> -> memref<64x1024xf32, #tpu.memory_space<hbm>>
      %dma_start3A_15 = arith.constant 0 : i32
      %dma_start3A_16 = tpu.memref_slice %arg2[%mul3A_2, %dma_start3A_15] : memref<2048x1024xf32, #tpu.memory_space<hbm>> -> memref<64x1024xf32, #tpu.memory_space<hbm>>
      tpu.enqueue_dma source(%dma_start3A_16 : memref<64x1024xf32, #tpu.memory_space<hbm>>) target(%arg8 : memref<64x1024xf32, #tpu.memory_space<vmem>>) target_semaphore(%run_scoped3A : memref<!tpu.dma_semaphore, #tpu.memory_space<semaphore_mem>>)
      %dma_wait3A_17 = arith.constant 0 : i32
      %dma_wait3A_18 = tpu.memref_slice %arg2[%mul3A_2, %dma_wait3A_17] : memref<2048x1024xf32, #tpu.memory_space<hbm>> -> memref<64x1024xf32, #tpu.memory_space<hbm>>
      %dma_wait3A_19 = arith.constant 0 : i32
      %dma_wait3A_20 = tpu.memref_slice %arg2[%mul3A_2, %dma_wait3A_19] : memref<2048x1024xf32, #tpu.memory_space<hbm>> -> memref<64x1024xf32, #tpu.memory_space<hbm>>
      tpu.wait_dma2 semaphore(%run_scoped3A : memref<!tpu.dma_semaphore, #tpu.memory_space<semaphore_mem>>) src(%dma_wait3A_20 : memref<64x1024xf32, #tpu.memory_space<hbm>>) dst(%arg8 : memref<64x1024xf32, #tpu.memory_space<vmem>>)
      tpu.yield
    }) : () -> ()
    %dma_start3A = arith.constant 0 : i32
    %dma_start3A_3 = arith.constant 0 : i32
    %dma_start3A_4 = tpu.memref_slice %arg5[%dma_start3A, %dma_start3A_3] : memref<16384x1024xf32, #tpu.memory_space<hbm>> -> memref<16384x1024xf32, #tpu.memory_space<hbm>>
    tpu.enqueue_indirect_dma source(%arg8 : memref<64x1024xf32, #tpu.memory_space<vmem>>) target(%dma_start3A_4 : memref<16384x1024xf32, #tpu.memory_space<hbm>>) offsets(%arg6 : memref<64xi32, #tpu.memory_space<vmem>>) semaphore(%arg9 : memref<!tpu.dma_semaphore, #tpu.memory_space<semaphore_mem>>)
    %dma_start3A_5 = arith.constant 0 : i32
    %dma_start3A_6 = arith.constant 0 : i32
    %dma_start3A_7 = tpu.memref_slice %arg5[%dma_start3A_5, %dma_start3A_6] : memref<16384x1024xf32, #tpu.memory_space<hbm>> -> memref<16384x1024xf32, #tpu.memory_space<hbm>>
    tpu.enqueue_indirect_dma source(%arg8 : memref<64x1024xf32, #tpu.memory_space<vmem>>) target(%dma_start3A_7 : memref<16384x1024xf32, #tpu.memory_space<hbm>>) offsets(%arg7 : memref<64xi32, #tpu.memory_space<vmem>>) semaphore(%arg9 : memref<!tpu.dma_semaphore, #tpu.memory_space<semaphore_mem>>)
    %dma_wait3A = arith.constant 0 : i32
    %dma_wait3A_8 = arith.constant 0 : i32
    %dma_wait3A_9 = tpu.memref_slice %arg5[%dma_wait3A, %dma_wait3A_8] : memref<16384x1024xf32, #tpu.memory_space<hbm>> -> memref<16384x1024xf32, #tpu.memory_space<hbm>>
    tpu.wait_indirect_dma semaphore(%arg9 : memref<!tpu.dma_semaphore, #tpu.memory_space<semaphore_mem>>) src(%arg8 : memref<64x1024xf32, #tpu.memory_space<vmem>>) dst(%dma_wait3A_9 : memref<16384x1024xf32, #tpu.memory_space<hbm>>)
    %dma_wait3A_10 = arith.constant 0 : i32
    %dma_wait3A_11 = arith.constant 0 : i32
    %dma_wait3A_12 = tpu.memref_slice %arg5[%dma_wait3A_10, %dma_wait3A_11] : memref<16384x1024xf32, #tpu.memory_space<hbm>> -> memref<16384x1024xf32, #tpu.memory_space<hbm>>
    tpu.wait_indirect_dma semaphore(%arg9 : memref<!tpu.dma_semaphore, #tpu.memory_space<semaphore_mem>>) src(%arg8 : memref<64x1024xf32, #tpu.memory_space<vmem>>) dst(%dma_wait3A_12 : memref<16384x1024xf32, #tpu.memory_space<hbm>>)
    return
  }
}

#map = affine_map<(d0, d1) -> (0, 0)>
#map1 = affine_map<(d0, d1) -> (0)>
module attributes {stable_mosaic.version = 14 : i64} {
  func.func @combine(%arg0: i32, %arg1: i32, %arg2: memref<16384x128xf32, #tpu.memory_space<hbm>>, %arg3: memref<2048xi32, #tpu.memory_space<hbm>>, %arg4: memref<2048xi32, #tpu.memory_space<hbm>>, %arg5: memref<2048x16xf32, #tpu.memory_space<hbm>>, %arg6: memref<2048x16xf32, #tpu.memory_space<hbm>>, %arg7: memref<2048x16xf32, #tpu.memory_space<hbm>>, %arg8: memref<64xi32, #tpu.memory_space<vmem>>, %arg9: memref<64xi32, #tpu.memory_space<vmem>>, %arg10: memref<64x128xf32, #tpu.memory_space<vmem>>, %arg11: memref<64x128xf32, #tpu.memory_space<vmem>>, %arg12: memref<64x16xf32, #tpu.memory_space<vmem>>, %arg13: memref<64x16xf32, #tpu.memory_space<vmem>>, %arg14: memref<64x16xf32, #tpu.memory_space<vmem>>, %arg15: memref<!tpu.dma_semaphore, #tpu.memory_space<semaphore_mem>>) attributes {dimension_semantics = [#tpu.dimension_semantics<core_parallel>, #tpu.dimension_semantics<subcore_parallel>], iteration_bounds = array<i64: 2, 16>, scalar_prefetch = 0 : i64, scratch_operands = 8 : i64, tpu.core_type = #tpu.core_type<sc_vector_subcore>, window_params = [{transform_indices = #map}, {transform_indices = #map1}, {transform_indices = #map1}, {transform_indices = #map}, {transform_indices = #map}, {transform_indices = #map}]} {
    %mul3A = arith.constant 2 : i32
    %mul3A_0 = arith.muli %arg1, %mul3A : i32
    %add3A = arith.addi %mul3A_0, %arg0 : i32
    %mul3A_1 = arith.constant 64 : i32
    %mul3A_2 = arith.muli %add3A, %mul3A_1 : i32
    "tpu.region"() ({
      %run_scoped3A = tpu.sem_alloc : memref<!tpu.dma_semaphore, #tpu.memory_space<semaphore_mem>>
      %dma_start3A_18 = tpu.memref_slice %arg3[%mul3A_2] : memref<2048xi32, #tpu.memory_space<hbm>> -> memref<64xi32, #tpu.memory_space<hbm>>
      %dma_start3A_19 = tpu.memref_slice %arg3[%mul3A_2] : memref<2048xi32, #tpu.memory_space<hbm>> -> memref<64xi32, #tpu.memory_space<hbm>>
      tpu.enqueue_dma source(%dma_start3A_19 : memref<64xi32, #tpu.memory_space<hbm>>) target(%arg8 : memref<64xi32, #tpu.memory_space<vmem>>) target_semaphore(%run_scoped3A : memref<!tpu.dma_semaphore, #tpu.memory_space<semaphore_mem>>)
      %dma_wait3A_20 = tpu.memref_slice %arg3[%mul3A_2] : memref<2048xi32, #tpu.memory_space<hbm>> -> memref<64xi32, #tpu.memory_space<hbm>>
      %dma_wait3A_21 = tpu.memref_slice %arg3[%mul3A_2] : memref<2048xi32, #tpu.memory_space<hbm>> -> memref<64xi32, #tpu.memory_space<hbm>>
      tpu.wait_dma2 semaphore(%run_scoped3A : memref<!tpu.dma_semaphore, #tpu.memory_space<semaphore_mem>>) src(%dma_wait3A_21 : memref<64xi32, #tpu.memory_space<hbm>>) dst(%arg8 : memref<64xi32, #tpu.memory_space<vmem>>)
      tpu.yield
    }) : () -> ()
    "tpu.region"() ({
      %run_scoped3A = tpu.sem_alloc : memref<!tpu.dma_semaphore, #tpu.memory_space<semaphore_mem>>
      %dma_start3A_18 = tpu.memref_slice %arg4[%mul3A_2] : memref<2048xi32, #tpu.memory_space<hbm>> -> memref<64xi32, #tpu.memory_space<hbm>>
      %dma_start3A_19 = tpu.memref_slice %arg4[%mul3A_2] : memref<2048xi32, #tpu.memory_space<hbm>> -> memref<64xi32, #tpu.memory_space<hbm>>
      tpu.enqueue_dma source(%dma_start3A_19 : memref<64xi32, #tpu.memory_space<hbm>>) target(%arg9 : memref<64xi32, #tpu.memory_space<vmem>>) target_semaphore(%run_scoped3A : memref<!tpu.dma_semaphore, #tpu.memory_space<semaphore_mem>>)
      %dma_wait3A_20 = tpu.memref_slice %arg4[%mul3A_2] : memref<2048xi32, #tpu.memory_space<hbm>> -> memref<64xi32, #tpu.memory_space<hbm>>
      %dma_wait3A_21 = tpu.memref_slice %arg4[%mul3A_2] : memref<2048xi32, #tpu.memory_space<hbm>> -> memref<64xi32, #tpu.memory_space<hbm>>
      tpu.wait_dma2 semaphore(%run_scoped3A : memref<!tpu.dma_semaphore, #tpu.memory_space<semaphore_mem>>) src(%dma_wait3A_21 : memref<64xi32, #tpu.memory_space<hbm>>) dst(%arg9 : memref<64xi32, #tpu.memory_space<vmem>>)
      tpu.yield
    }) : () -> ()
    "tpu.region"() ({
      %run_scoped3A = tpu.sem_alloc : memref<!tpu.dma_semaphore, #tpu.memory_space<semaphore_mem>>
      %dma_start3A_18 = arith.constant 0 : i32
      %dma_start3A_19 = tpu.memref_slice %arg5[%mul3A_2, %dma_start3A_18] : memref<2048x16xf32, #tpu.memory_space<hbm>> -> memref<64x16xf32, #tpu.memory_space<hbm>>
      %dma_start3A_20 = arith.constant 0 : i32
      %dma_start3A_21 = tpu.memref_slice %arg5[%mul3A_2, %dma_start3A_20] : memref<2048x16xf32, #tpu.memory_space<hbm>> -> memref<64x16xf32, #tpu.memory_space<hbm>>
      tpu.enqueue_dma source(%dma_start3A_21 : memref<64x16xf32, #tpu.memory_space<hbm>>) target(%arg12 : memref<64x16xf32, #tpu.memory_space<vmem>>) target_semaphore(%run_scoped3A : memref<!tpu.dma_semaphore, #tpu.memory_space<semaphore_mem>>)
      %dma_wait3A_22 = arith.constant 0 : i32
      %dma_wait3A_23 = tpu.memref_slice %arg5[%mul3A_2, %dma_wait3A_22] : memref<2048x16xf32, #tpu.memory_space<hbm>> -> memref<64x16xf32, #tpu.memory_space<hbm>>
      %dma_wait3A_24 = arith.constant 0 : i32
      %dma_wait3A_25 = tpu.memref_slice %arg5[%mul3A_2, %dma_wait3A_24] : memref<2048x16xf32, #tpu.memory_space<hbm>> -> memref<64x16xf32, #tpu.memory_space<hbm>>
      tpu.wait_dma2 semaphore(%run_scoped3A : memref<!tpu.dma_semaphore, #tpu.memory_space<semaphore_mem>>) src(%dma_wait3A_25 : memref<64x16xf32, #tpu.memory_space<hbm>>) dst(%arg12 : memref<64x16xf32, #tpu.memory_space<vmem>>)
      tpu.yield
    }) : () -> ()
    "tpu.region"() ({
      %run_scoped3A = tpu.sem_alloc : memref<!tpu.dma_semaphore, #tpu.memory_space<semaphore_mem>>
      %dma_start3A_18 = arith.constant 0 : i32
      %dma_start3A_19 = tpu.memref_slice %arg6[%mul3A_2, %dma_start3A_18] : memref<2048x16xf32, #tpu.memory_space<hbm>> -> memref<64x16xf32, #tpu.memory_space<hbm>>
      %dma_start3A_20 = arith.constant 0 : i32
      %dma_start3A_21 = tpu.memref_slice %arg6[%mul3A_2, %dma_start3A_20] : memref<2048x16xf32, #tpu.memory_space<hbm>> -> memref<64x16xf32, #tpu.memory_space<hbm>>
      tpu.enqueue_dma source(%dma_start3A_21 : memref<64x16xf32, #tpu.memory_space<hbm>>) target(%arg13 : memref<64x16xf32, #tpu.memory_space<vmem>>) target_semaphore(%run_scoped3A : memref<!tpu.dma_semaphore, #tpu.memory_space<semaphore_mem>>)
      %dma_wait3A_22 = arith.constant 0 : i32
      %dma_wait3A_23 = tpu.memref_slice %arg6[%mul3A_2, %dma_wait3A_22] : memref<2048x16xf32, #tpu.memory_space<hbm>> -> memref<64x16xf32, #tpu.memory_space<hbm>>
      %dma_wait3A_24 = arith.constant 0 : i32
      %dma_wait3A_25 = tpu.memref_slice %arg6[%mul3A_2, %dma_wait3A_24] : memref<2048x16xf32, #tpu.memory_space<hbm>> -> memref<64x16xf32, #tpu.memory_space<hbm>>
      tpu.wait_dma2 semaphore(%run_scoped3A : memref<!tpu.dma_semaphore, #tpu.memory_space<semaphore_mem>>) src(%dma_wait3A_25 : memref<64x16xf32, #tpu.memory_space<hbm>>) dst(%arg13 : memref<64x16xf32, #tpu.memory_space<vmem>>)
      tpu.yield
    }) : () -> ()
    %dma_start3A = arith.constant 0 : i32
    %dma_start3A_3 = arith.constant 0 : i32
    %dma_start3A_4 = tpu.memref_slice %arg2[%dma_start3A, %dma_start3A_3] : memref<16384x128xf32, #tpu.memory_space<hbm>> -> memref<16384x128xf32, #tpu.memory_space<hbm>>
    tpu.enqueue_indirect_dma source(%dma_start3A_4 : memref<16384x128xf32, #tpu.memory_space<hbm>>) target(%arg10 : memref<64x128xf32, #tpu.memory_space<vmem>>) offsets(%arg8 : memref<64xi32, #tpu.memory_space<vmem>>) semaphore(%arg15 : memref<!tpu.dma_semaphore, #tpu.memory_space<semaphore_mem>>)
    %dma_start3A_5 = arith.constant 0 : i32
    %dma_start3A_6 = arith.constant 0 : i32
    %dma_start3A_7 = tpu.memref_slice %arg2[%dma_start3A_5, %dma_start3A_6] : memref<16384x128xf32, #tpu.memory_space<hbm>> -> memref<16384x128xf32, #tpu.memory_space<hbm>>
    tpu.enqueue_indirect_dma source(%dma_start3A_7 : memref<16384x128xf32, #tpu.memory_space<hbm>>) target(%arg11 : memref<64x128xf32, #tpu.memory_space<vmem>>) offsets(%arg9 : memref<64xi32, #tpu.memory_space<vmem>>) semaphore(%arg15 : memref<!tpu.dma_semaphore, #tpu.memory_space<semaphore_mem>>)
    %dma_wait3A = arith.constant 0 : i32
    %dma_wait3A_8 = arith.constant 0 : i32
    %dma_wait3A_9 = tpu.memref_slice %arg2[%dma_wait3A, %dma_wait3A_8] : memref<16384x128xf32, #tpu.memory_space<hbm>> -> memref<16384x128xf32, #tpu.memory_space<hbm>>
    tpu.wait_indirect_dma semaphore(%arg15 : memref<!tpu.dma_semaphore, #tpu.memory_space<semaphore_mem>>) src(%dma_wait3A_9 : memref<16384x128xf32, #tpu.memory_space<hbm>>) dst(%arg10 : memref<64x128xf32, #tpu.memory_space<vmem>>)
    %dma_wait3A_10 = arith.constant 0 : i32
    %dma_wait3A_11 = arith.constant 0 : i32
    %dma_wait3A_12 = tpu.memref_slice %arg2[%dma_wait3A_10, %dma_wait3A_11] : memref<16384x128xf32, #tpu.memory_space<hbm>> -> memref<16384x128xf32, #tpu.memory_space<hbm>>
    tpu.wait_indirect_dma semaphore(%arg15 : memref<!tpu.dma_semaphore, #tpu.memory_space<semaphore_mem>>) src(%dma_wait3A_12 : memref<16384x128xf32, #tpu.memory_space<hbm>>) dst(%arg11 : memref<64x128xf32, #tpu.memory_space<vmem>>)
    %iota3A = tpu.iota {dimensions = array<i32: 0>} : vector<16xi32>
    %scan3A = arith.constant 0 : i32
    %scan3A_13 = arith.constant 0 : i32
    %scan3A_14 = arith.constant 64 : i32
    %scan3A_15 = arith.addi %scan3A_13, %scan3A_14 : i32
    %scan3A_16 = arith.constant 1 : i32
    scf.for %scan3A_18 = %scan3A_13 to %scan3A_15 step %scan3A_16  : i32 {
      %get3A = arith.index_cast %scan3A_18 : i32 to index
      %get3A_19 = arith.constant 0 : index
      %get3A_20 = tpu.vector_load %arg12[%get3A, %get3A_19] {strides = array<i32>} : memref<64x16xf32, #tpu.memory_space<vmem>>, vector<1x16xf32>,
      %get3A_21 = vector.shape_cast %get3A_20 : vector<1x16xf32> to vector<16xf32>
      %get3A_22 = arith.index_cast %scan3A_18 : i32 to index
      %get3A_23 = arith.constant 0 : index
      %get3A_24 = tpu.vector_load %arg10[%get3A_22, %get3A_23] {strides = array<i32>} : memref<64x128xf32, #tpu.memory_space<vmem>>, vector<1x16xf32>,
      %get3A_25 = vector.shape_cast %get3A_24 : vector<1x16xf32> to vector<16xf32>
      %mul3A_26 = arith.mulf %get3A_21, %get3A_25 : vector<16xf32>
      %get3A_27 = arith.index_cast %scan3A_18 : i32 to index
      %get3A_28 = arith.constant 0 : index
      %get3A_29 = tpu.vector_load %arg13[%get3A_27, %get3A_28] {strides = array<i32>} : memref<64x16xf32, #tpu.memory_space<vmem>>, vector<1x16xf32>,
      %get3A_30 = vector.shape_cast %get3A_29 : vector<1x16xf32> to vector<16xf32>
      %get3A_31 = arith.index_cast %scan3A_18 : i32 to index
      %get3A_32 = arith.constant 0 : index
      %get3A_33 = tpu.vector_load %arg11[%get3A_31, %get3A_32] {strides = array<i32>} : memref<64x128xf32, #tpu.memory_space<vmem>>, vector<1x16xf32>,
      %get3A_34 = vector.shape_cast %get3A_33 : vector<1x16xf32> to vector<16xf32>
      %mul3A_35 = arith.mulf %get3A_30, %get3A_34 : vector<16xf32>
      %add3A_36 = arith.addf %mul3A_26, %mul3A_35 : vector<16xf32>
      %get3A_37 = arith.index_cast %scan3A_18 : i32 to index
      %get3A_38 = arith.constant 0 : index
      %get3A_39 = tpu.vector_load %arg12[%get3A_37, %get3A_38] {strides = array<i32>} : memref<64x16xf32, #tpu.memory_space<vmem>>, vector<1x16xf32>,
      %get3A_40 = vector.shape_cast %get3A_39 : vector<1x16xf32> to vector<16xf32>
      %get3A_41 = arith.index_cast %scan3A_18 : i32 to index
      %get3A_42 = arith.constant 16 : index
      %get3A_43 = tpu.vector_load %arg10[%get3A_41, %get3A_42] {strides = array<i32>} : memref<64x128xf32, #tpu.memory_space<vmem>>, vector<1x16xf32>,
      %get3A_44 = vector.shape_cast %get3A_43 : vector<1x16xf32> to vector<16xf32>
      %mul3A_45 = arith.mulf %get3A_40, %get3A_44 : vector<16xf32>
      %get3A_46 = arith.index_cast %scan3A_18 : i32 to index
      %get3A_47 = arith.constant 0 : index
      %get3A_48 = tpu.vector_load %arg13[%get3A_46, %get3A_47] {strides = array<i32>} : memref<64x16xf32, #tpu.memory_space<vmem>>, vector<1x16xf32>,
      %get3A_49 = vector.shape_cast %get3A_48 : vector<1x16xf32> to vector<16xf32>
      %get3A_50 = arith.index_cast %scan3A_18 : i32 to index
      %get3A_51 = arith.constant 16 : index
      %get3A_52 = tpu.vector_load %arg11[%get3A_50, %get3A_51] {strides = array<i32>} : memref<64x128xf32, #tpu.memory_space<vmem>>, vector<1x16xf32>,
      %get3A_53 = vector.shape_cast %get3A_52 : vector<1x16xf32> to vector<16xf32>
      %mul3A_54 = arith.mulf %get3A_49, %get3A_53 : vector<16xf32>
      %add3A_55 = arith.addf %mul3A_45, %mul3A_54 : vector<16xf32>
      %lt3A = arith.constant 7 : i32
      %lt3A_56 = vector.broadcast %lt3A : i32 to vector<16xi32>
      %lt3A_57 = arith.cmpi slt, %iota3A, %lt3A_56 : vector<16xi32>
      %add3A_58 = arith.constant 9.99999993E-9 : f32
      %add3A_59 = vector.broadcast %add3A_58 : f32 to vector<16xf32>
      %add3A_60 = arith.addf %add3A_55, %add3A_59 : vector<16xf32>
      %div3A = arith.divf %add3A_36, %add3A_60 : vector<16xf32>
      %select_n3A = arith.select %lt3A_57, %div3A, %add3A_36 : vector<16xi1>, vector<16xf32>
      %swap3A = arith.index_cast %scan3A_18 : i32 to index
      %swap3A_61 = arith.constant 0 : index
      %swap3A_62 = tpu.vector_load %arg14[%swap3A, %swap3A_61] {strides = array<i32>} : memref<64x16xf32, #tpu.memory_space<vmem>>, vector<1x16xf32>,
      %swap3A_63 = vector.shape_cast %swap3A_62 : vector<1x16xf32> to vector<16xf32>
      %swap3A_64 = vector.shape_cast %select_n3A : vector<16xf32> to vector<1x16xf32>
      tpu.vector_store %arg14[%swap3A, %swap3A_61], %swap3A_64 {strides = array<i32>} : memref<64x16xf32, #tpu.memory_space<vmem>>, vector<1x16xf32>,
    }
    %scan3A_17 = arith.constant 64 : i32
    "tpu.region"() ({
      %run_scoped3A = tpu.sem_alloc : memref<!tpu.dma_semaphore, #tpu.memory_space<semaphore_mem>>
      %dma_start3A_18 = arith.constant 0 : i32
      %dma_start3A_19 = tpu.memref_slice %arg7[%mul3A_2, %dma_start3A_18] : memref<2048x16xf32, #tpu.memory_space<hbm>> -> memref<64x16xf32, #tpu.memory_space<hbm>>
      %dma_start3A_20 = arith.constant 0 : i32
      %dma_start3A_21 = tpu.memref_slice %arg7[%mul3A_2, %dma_start3A_20] : memref<2048x16xf32, #tpu.memory_space<hbm>> -> memref<64x16xf32, #tpu.memory_space<hbm>>
      tpu.enqueue_dma source(%arg14 : memref<64x16xf32, #tpu.memory_space<vmem>>) target(%dma_start3A_21 : memref<64x16xf32, #tpu.memory_space<hbm>>) target_semaphore(%run_scoped3A : memref<!tpu.dma_semaphore, #tpu.memory_space<semaphore_mem>>)
      %dma_wait3A_22 = arith.constant 0 : i32
      %dma_wait3A_23 = tpu.memref_slice %arg7[%mul3A_2, %dma_wait3A_22] : memref<2048x16xf32, #tpu.memory_space<hbm>> -> memref<64x16xf32, #tpu.memory_space<hbm>>
      %dma_wait3A_24 = arith.constant 0 : i32
      %dma_wait3A_25 = tpu.memref_slice %arg7[%mul3A_2, %dma_wait3A_24] : memref<2048x16xf32, #tpu.memory_space<hbm>> -> memref<64x16xf32, #tpu.memory_space<hbm>>
      tpu.wait_dma2 semaphore(%run_scoped3A : memref<!tpu.dma_semaphore, #tpu.memory_space<semaphore_mem>>) src(%arg14 : memref<64x16xf32, #tpu.memory_space<vmem>>) dst(%dma_wait3A_25 : memref<64x16xf32, #tpu.memory_space<hbm>>)
      tpu.yield
    }) : () -> ()
    return
  }
}

module attributes {stable_mosaic.version = 14 : i64} {
  func.func @_expert_kernel(%arg0: i32, %arg1: memref<16xi32, #tpu.memory_space<smem>>, %arg2: memref<16xi32, #tpu.memory_space<smem>>, %arg3: memref<1xi32, #tpu.memory_space<smem>>, %arg4: memref<512x1024xf32, #tpu.memory_space<vmem>>, %arg5: memref<1x1024x1024xf32, #tpu.memory_space<vmem>>, %arg6: memref<1x1x1024xf32, #tpu.memory_space<vmem>>, %arg7: memref<1x1024x1024xf32, #tpu.memory_space<vmem>>, %arg8: memref<1x1x1024xf32, #tpu.memory_space<vmem>>, %arg9: memref<1x1024x16xf32, #tpu.memory_space<vmem>>, %arg10: memref<1x1x16xf32, #tpu.memory_space<vmem>>, %arg11: memref<512x128xf32, #tpu.memory_space<vmem>>) attributes {dimension_semantics = [#tpu.dimension_semantics<arbitrary>], iteration_bounds = array<i64: 16>, scalar_prefetch = 3 : i64, scratch_operands = 0 : i64, tpu.core_type = #tpu.core_type<tc>, window_params = [{transform_indices = @transform_0, window_bounds = array<i64: 512, 1024>}, {transform_indices = @transform_1, window_bounds = array<i64: 1, 1024, 1024>}, {transform_indices = @transform_2, window_bounds = array<i64: 1, 1, 1024>}, {transform_indices = @transform_3, window_bounds = array<i64: 1, 1024, 1024>}, {transform_indices = @transform_4, window_bounds = array<i64: 1, 1, 1024>}, {transform_indices = @transform_5, window_bounds = array<i64: 1, 1024, 16>}, {transform_indices = @transform_6, window_bounds = array<i64: 1, 1, 16>}, {transform_indices = @transform_7, window_bounds = array<i64: 512, 128>}]} {
    %get3A = arith.constant 0 : index
    %get3A_0 = memref.load %arg3[%get3A] : memref<1xi32, #tpu.memory_space<smem>>
    %lt3A = arith.cmpi slt, %arg0, %get3A_0 : i32
    %convert_element_type3A = arith.extui %lt3A : i1 to i32
    %cond3A = arith.constant 0 : i32
    %cond3A_1 = arith.cmpi ne, %convert_element_type3A, %cond3A : i32
    scf.if %cond3A_1 {
      %get3A_2 = arith.constant 0 : index
      %get3A_3 = arith.constant 0 : index
      %get3A_4 = vector.load %arg4[%get3A_2, %get3A_3] : memref<512x1024xf32, #tpu.memory_space<vmem>>, vector<512x1024xf32>
      %get3A_5 = arith.constant 0 : index
      %get3A_6 = arith.constant 0 : index
      %get3A_7 = arith.constant 0 : index
      %get3A_8 = vector.load %arg5[%get3A_5, %get3A_6, %get3A_7] : memref<1x1024x1024xf32, #tpu.memory_space<vmem>>, vector<1x1024x1024xf32>
      %get3A_9 = vector.shape_cast %get3A_8 : vector<1x1024x1024xf32> to vector<1024x1024xf32>
      %dot_general3A = arith.constant dense<0.000000e+00> : vector<512x1024xf32>
      %dot_general3A_10 = tpu.matmul %get3A_4, %get3A_9, %dot_general3A {dimension_numbers = #tpu.dot_dimension_numbers<[1], [0], [0], [1], [0, 0, 1, 1], [], []>, transpose_lhs_hint = false} : vector<512x1024xf32>, vector<1024x1024xf32>, vector<512x1024xf32> -> vector<512x1024xf32>
      %get3A_11 = arith.constant 0 : index
      %get3A_12 = arith.constant 0 : index
      %get3A_13 = arith.constant 0 : index
      %get3A_14 = vector.load %arg6[%get3A_11, %get3A_12, %get3A_13] : memref<1x1x1024xf32, #tpu.memory_space<vmem>>, vector<1x1x1024xf32>
      %get3A_15 = vector.shape_cast %get3A_14 : vector<1x1x1024xf32> to vector<1x1024xf32>
      %add3A = vector.broadcast %get3A_15 : vector<1x1024xf32> to vector<512x1024xf32>
      %add3A_16 = arith.addf %dot_general3A_10, %add3A : vector<512x1024xf32>
      %max3A = arith.constant 0.000000e+00 : f32
      %max3A_17 = vector.broadcast %max3A : f32 to vector<512x1024xf32>
      %max3A_18 = arith.maximumf %add3A_16, %max3A_17 : vector<512x1024xf32>
      %get3A_19 = arith.constant 0 : index
      %get3A_20 = arith.constant 0 : index
      %get3A_21 = arith.constant 0 : index
      %get3A_22 = vector.load %arg7[%get3A_19, %get3A_20, %get3A_21] : memref<1x1024x1024xf32, #tpu.memory_space<vmem>>, vector<1x1024x1024xf32>
      %get3A_23 = vector.shape_cast %get3A_22 : vector<1x1024x1024xf32> to vector<1024x1024xf32>
      %dot_general3A_24 = arith.constant dense<0.000000e+00> : vector<512x1024xf32>
      %dot_general3A_25 = tpu.matmul %max3A_18, %get3A_23, %dot_general3A_24 {dimension_numbers = #tpu.dot_dimension_numbers<[1], [0], [0], [1], [0, 0, 1, 1], [], []>, transpose_lhs_hint = false} : vector<512x1024xf32>, vector<1024x1024xf32>, vector<512x1024xf32> -> vector<512x1024xf32>
      %get3A_26 = arith.constant 0 : index
      %get3A_27 = arith.constant 0 : index
      %get3A_28 = arith.constant 0 : index
      %get3A_29 = vector.load %arg8[%get3A_26, %get3A_27, %get3A_28] : memref<1x1x1024xf32, #tpu.memory_space<vmem>>, vector<1x1x1024xf32>
      %get3A_30 = vector.shape_cast %get3A_29 : vector<1x1x1024xf32> to vector<1x1024xf32>
      %add3A_31 = vector.broadcast %get3A_30 : vector<1x1024xf32> to vector<512x1024xf32>
      %add3A_32 = arith.addf %dot_general3A_25, %add3A_31 : vector<512x1024xf32>
      %max3A_33 = arith.constant 0.000000e+00 : f32
      %max3A_34 = vector.broadcast %max3A_33 : f32 to vector<512x1024xf32>
      %max3A_35 = arith.maximumf %add3A_32, %max3A_34 : vector<512x1024xf32>
      %get3A_36 = arith.constant 0 : index
      %get3A_37 = arith.constant 0 : index
      %get3A_38 = arith.constant 0 : index
      %get3A_39 = vector.load %arg9[%get3A_36, %get3A_37, %get3A_38] : memref<1x1024x16xf32, #tpu.memory_space<vmem>>, vector<1x1024x16xf32>
      %get3A_40 = vector.shape_cast %get3A_39 : vector<1x1024x16xf32> to vector<1024x16xf32>
      %dot_general3A_41 = arith.constant dense<0.000000e+00> : vector<512x16xf32>
      %dot_general3A_42 = tpu.matmul %max3A_35, %get3A_40, %dot_general3A_41 {dimension_numbers = #tpu.dot_dimension_numbers<[1], [0], [0], [1], [0, 0, 1, 1], [], []>, transpose_lhs_hint = false} : vector<512x1024xf32>, vector<1024x16xf32>, vector<512x16xf32> -> vector<512x16xf32>
      %get3A_43 = arith.constant 0 : index
      %get3A_44 = arith.constant 0 : index
      %get3A_45 = arith.constant 0 : index
      %get3A_46 = vector.load %arg10[%get3A_43, %get3A_44, %get3A_45] : memref<1x1x16xf32, #tpu.memory_space<vmem>>, vector<1x1x16xf32>
      %get3A_47 = vector.shape_cast %get3A_46 : vector<1x1x16xf32> to vector<1x16xf32>
      %add3A_48 = vector.broadcast %get3A_47 : vector<1x16xf32> to vector<512x16xf32>
      %add3A_49 = arith.addf %dot_general3A_42, %add3A_48 : vector<512x16xf32>
      %iota3A = tpu.iota {dimensions = array<i32: 1>} : vector<512x16xi32>
      %lt3A_50 = arith.constant 7 : i32
      %lt3A_51 = vector.broadcast %lt3A_50 : i32 to vector<512x16xi32>
      %lt3A_52 = arith.cmpi slt, %iota3A, %lt3A_51 : vector<512x16xi32>
      %jit3A = arith.constant -1.000000e+30 : f32
      %broadcast_in_dim3A = vector.broadcast %jit3A : f32 to vector<512x16xf32>
      %select_n3A = arith.select %lt3A_52, %add3A_49, %broadcast_in_dim3A : vector<512x16xi1>, vector<512x16xf32>
      %reduce_max3A = arith.constant dense<0xFF800000> : vector<512xf32>
      %reduce_max3A_53 = vector.multi_reduction <maximumf>, %select_n3A, %reduce_max3A [1] : vector<512x16xf32> to vector<512xf32>
      %broadcast_in_dim3A_54 = vector.shape_cast %reduce_max3A_53 : vector<512xf32> to vector<512x1xf32>
      %sub3A = vector.broadcast %broadcast_in_dim3A_54 : vector<512x1xf32> to vector<512x16xf32>
      %sub3A_55 = arith.subf %select_n3A, %sub3A : vector<512x16xf32>
      %exp3A = math.exp %sub3A_55 : vector<512x16xf32>
      %jit3A_56 = arith.constant 0.000000e+00 : f32
      %broadcast_in_dim3A_57 = vector.broadcast %jit3A_56 : f32 to vector<512x16xf32>
      %select_n3A_58 = arith.select %lt3A_52, %exp3A, %broadcast_in_dim3A_57 : vector<512x16xi1>, vector<512x16xf32>
      %reduce_sum3A = arith.constant dense<0.000000e+00> : vector<512xf32>
      %reduce_sum3A_59 = vector.multi_reduction <add>, %select_n3A_58, %reduce_sum3A [1] : vector<512x16xf32> to vector<512xf32>
      %broadcast_in_dim3A_60 = vector.shape_cast %reduce_sum3A_59 : vector<512xf32> to vector<512x1xf32>
      %div3A = vector.broadcast %broadcast_in_dim3A_60 : vector<512x1xf32> to vector<512x16xf32>
      %div3A_61 = arith.divf %select_n3A_58, %div3A : vector<512x16xf32>
      %slice3A = vector.extract_strided_slice %add3A_49 {offsets = [0, 7], sizes = [512, 1], strides = [1, 1]} : vector<512x16xf32> to vector<512x1xf32>
      %abs3A = math.absf %slice3A : vector<512x1xf32>
      %neg3A = arith.constant 0.000000e+00 : f32
      %neg3A_62 = vector.broadcast %neg3A : f32 to vector<512x1xf32>
      %neg3A_63 = arith.subf %neg3A_62, %abs3A : vector<512x1xf32>
      %exp3A_64 = math.exp %neg3A_63 : vector<512x1xf32>
      %log1p3A = math.log1p %exp3A_64 : vector<512x1xf32>
      %max3A_65 = arith.constant 0.000000e+00 : f32
      %max3A_66 = vector.broadcast %max3A_65 : f32 to vector<512x1xf32>
      %max3A_67 = arith.maximumf %slice3A, %max3A_66 : vector<512x1xf32>
      %add3A_68 = arith.addf %log1p3A, %max3A_67 : vector<512x1xf32>
      %add3A_69 = arith.constant 1.000000e+01 : f32
      %add3A_70 = vector.broadcast %add3A_69 : f32 to vector<512x1xf32>
      %add3A_71 = arith.addf %add3A_68, %add3A_70 : vector<512x1xf32>
      %jit3A_72 = arith.constant 1.000000e+00 : f32
      %jit3A_73 = arith.constant 5.000000e+02 : f32
      %max3A_74 = vector.broadcast %jit3A_72 : f32 to vector<512x1xf32>
      %max3A_75 = arith.maximumf %max3A_74, %add3A_71 : vector<512x1xf32>
      %min3A = vector.broadcast %jit3A_73 : f32 to vector<512x1xf32>
      %min3A_76 = arith.minimumf %min3A, %max3A_75 : vector<512x1xf32>
      %jit3A_77 = arith.constant 0.000000e+00 : f32
      %broadcast_in_dim3A_78 = vector.broadcast %jit3A_77 : f32 to vector<512x16xf32>
      %select_n3A_79 = arith.select %lt3A_52, %div3A_61, %broadcast_in_dim3A_78 : vector<512x16xi1>, vector<512x16xf32>
      %reduce_sum3A_80 = arith.constant dense<0.000000e+00> : vector<512xf32>
      %reduce_sum3A_81 = vector.multi_reduction <add>, %select_n3A_79, %reduce_sum3A_80 [1] : vector<512x16xf32> to vector<512xf32>
      %broadcast_in_dim3A_82 = vector.shape_cast %reduce_sum3A_81 : vector<512xf32> to vector<512x1xf32>
      %iota3A_83 = tpu.iota {dimensions = array<i32: 1>} : vector<512x128xi32>
      %lt3A_84 = arith.constant 7 : i32
      %lt3A_85 = vector.broadcast %lt3A_84 : i32 to vector<512x128xi32>
      %lt3A_86 = arith.cmpi slt, %iota3A_83, %lt3A_85 : vector<512x128xi32>
      %jit3A_87 = arith.constant 0 : i32
      %convert_element_type3A_88 = arith.sitofp %jit3A_87 : i32 to f32
      %pad3A = vector.broadcast %convert_element_type3A_88 : f32 to vector<512x112xf32>
      %pad3A_89 = tpu.concatenate %div3A_61, %pad3A in 1 : vector<512x16xf32>, vector<512x112xf32> -> vector<512x128xf32>
      %eq3A = arith.constant 7 : i32
      %eq3A_90 = vector.broadcast %eq3A : i32 to vector<512x128xi32>
      %eq3A_91 = arith.cmpi eq, %iota3A_83, %eq3A_90 : vector<512x128xi32>
      %broadcast_in_dim3A_92 = vector.shape_cast %min3A_76 : vector<512x1xf32> to vector<512x1xf32>
      %broadcast_in_dim3A_93 = vector.broadcast %broadcast_in_dim3A_92 : vector<512x1xf32> to vector<512x128xf32>
      %ge3A = arith.constant 16 : i32
      %ge3A_94 = vector.broadcast %ge3A : i32 to vector<512x128xi32>
      %ge3A_95 = arith.cmpi sge, %iota3A_83, %ge3A_94 : vector<512x128xi32>
      %lt3A_96 = arith.constant 32 : i32
      %lt3A_97 = vector.broadcast %lt3A_96 : i32 to vector<512x128xi32>
      %lt3A_98 = arith.cmpi slt, %iota3A_83, %lt3A_97 : vector<512x128xi32>
      %and3A = arith.andi %ge3A_95, %lt3A_98 : vector<512x128xi1>
      %broadcast_in_dim3A_99 = vector.shape_cast %broadcast_in_dim3A_82 : vector<512x1xf32> to vector<512x1xf32>
      %broadcast_in_dim3A_100 = vector.broadcast %broadcast_in_dim3A_99 : vector<512x1xf32> to vector<512x128xf32>
      %jit3A_101 = arith.constant 0.000000e+00 : f32
      %broadcast_in_dim3A_102 = vector.broadcast %jit3A_101 : f32 to vector<512x128xf32>
      %select_n3A_103 = arith.select %and3A, %broadcast_in_dim3A_100, %broadcast_in_dim3A_102 : vector<512x128xi1>, vector<512x128xf32>
      %select_n3A_104 = arith.select %eq3A_91, %broadcast_in_dim3A_93, %select_n3A_103 : vector<512x128xi1>, vector<512x128xf32>
      %select_n3A_105 = arith.select %lt3A_86, %pad3A_89, %select_n3A_104 : vector<512x128xi1>, vector<512x128xf32>
      %swap3A = arith.constant 0 : index
      %swap3A_106 = arith.constant 0 : index
      %swap3A_107 = vector.load %arg11[%swap3A, %swap3A_106] : memref<512x128xf32, #tpu.memory_space<vmem>>, vector<512x128xf32>
      tpu.vector_store %arg11[%swap3A, %swap3A_106], %select_n3A_105 {strides = array<i32>} : memref<512x128xf32, #tpu.memory_space<vmem>>, vector<512x128xf32>,
    } else {
    }
    return
  }
  func.func @transform_0(%arg0: i32, %arg1: memref<16xi32, #tpu.memory_space<smem>>, %arg2: memref<16xi32, #tpu.memory_space<smem>>, %arg3: memref<1xi32, #tpu.memory_space<smem>>) -> (i32, i32) {
    %get3A = arith.constant 0 : index
    %get3A_0 = memref.load %arg3[%get3A] : memref<1xi32, #tpu.memory_space<smem>>
    %sub3A = arith.constant 1 : i32
    %sub3A_1 = arith.subi %get3A_0, %sub3A : i32
    %min3A = arith.minsi %arg0, %sub3A_1 : i32
    %get3A_2 = arith.index_cast %min3A : i32 to index
    %get3A_3 = memref.load %arg1[%get3A_2] : memref<16xi32, #tpu.memory_space<smem>>
    %mul3A = arith.constant 4 : i32
    %mul3A_4 = arith.muli %get3A_3, %mul3A : i32
    %get3A_5 = arith.index_cast %min3A : i32 to index
    %get3A_6 = memref.load %arg2[%get3A_5] : memref<16xi32, #tpu.memory_space<smem>>
    %add3A = arith.addi %mul3A_4, %get3A_6 : i32
    %c0_i32 = arith.constant 0 : i32
    %c0_i32_7 = arith.constant 0 : i32
    return %add3A, %c0_i32 : i32, i32
  }
  func.func @transform_1(%arg0: i32, %arg1: memref<16xi32, #tpu.memory_space<smem>>, %arg2: memref<16xi32, #tpu.memory_space<smem>>, %arg3: memref<1xi32, #tpu.memory_space<smem>>) -> (i32, i32, i32) {
    %get3A = arith.constant 0 : index
    %get3A_0 = memref.load %arg3[%get3A] : memref<1xi32, #tpu.memory_space<smem>>
    %sub3A = arith.constant 1 : i32
    %sub3A_1 = arith.subi %get3A_0, %sub3A : i32
    %min3A = arith.minsi %arg0, %sub3A_1 : i32
    %get3A_2 = arith.index_cast %min3A : i32 to index
    %get3A_3 = memref.load %arg1[%get3A_2] : memref<16xi32, #tpu.memory_space<smem>>
    %c0_i32 = arith.constant 0 : i32
    %c0_i32_4 = arith.constant 0 : i32
    %c0_i32_5 = arith.constant 0 : i32
    return %get3A_3, %c0_i32, %c0_i32_4 : i32, i32, i32
  }
  func.func @transform_2(%arg0: i32, %arg1: memref<16xi32, #tpu.memory_space<smem>>, %arg2: memref<16xi32, #tpu.memory_space<smem>>, %arg3: memref<1xi32, #tpu.memory_space<smem>>) -> (i32, i32, i32) {
    %get3A = arith.constant 0 : index
    %get3A_0 = memref.load %arg3[%get3A] : memref<1xi32, #tpu.memory_space<smem>>
    %sub3A = arith.constant 1 : i32
    %sub3A_1 = arith.subi %get3A_0, %sub3A : i32
    %min3A = arith.minsi %arg0, %sub3A_1 : i32
    %get3A_2 = arith.index_cast %min3A : i32 to index
    %get3A_3 = memref.load %arg1[%get3A_2] : memref<16xi32, #tpu.memory_space<smem>>
    %c0_i32 = arith.constant 0 : i32
    %c0_i32_4 = arith.constant 0 : i32
    %c0_i32_5 = arith.constant 0 : i32
    return %get3A_3, %c0_i32, %c0_i32_4 : i32, i32, i32
  }
  func.func @transform_3(%arg0: i32, %arg1: memref<16xi32, #tpu.memory_space<smem>>, %arg2: memref<16xi32, #tpu.memory_space<smem>>, %arg3: memref<1xi32, #tpu.memory_space<smem>>) -> (i32, i32, i32) {
    %get3A = arith.constant 0 : index
    %get3A_0 = memref.load %arg3[%get3A] : memref<1xi32, #tpu.memory_space<smem>>
    %sub3A = arith.constant 1 : i32
    %sub3A_1 = arith.subi %get3A_0, %sub3A : i32
    %min3A = arith.minsi %arg0, %sub3A_1 : i32
    %get3A_2 = arith.index_cast %min3A : i32 to index
    %get3A_3 = memref.load %arg1[%get3A_2] : memref<16xi32, #tpu.memory_space<smem>>
    %c0_i32 = arith.constant 0 : i32
    %c0_i32_4 = arith.constant 0 : i32
    %c0_i32_5 = arith.constant 0 : i32
    return %get3A_3, %c0_i32, %c0_i32_4 : i32, i32, i32
  }
  func.func @transform_4(%arg0: i32, %arg1: memref<16xi32, #tpu.memory_space<smem>>, %arg2: memref<16xi32, #tpu.memory_space<smem>>, %arg3: memref<1xi32, #tpu.memory_space<smem>>) -> (i32, i32, i32) {
    %get3A = arith.constant 0 : index
    %get3A_0 = memref.load %arg3[%get3A] : memref<1xi32, #tpu.memory_space<smem>>
    %sub3A = arith.constant 1 : i32
    %sub3A_1 = arith.subi %get3A_0, %sub3A : i32
    %min3A = arith.minsi %arg0, %sub3A_1 : i32
    %get3A_2 = arith.index_cast %min3A : i32 to index
    %get3A_3 = memref.load %arg1[%get3A_2] : memref<16xi32, #tpu.memory_space<smem>>
    %c0_i32 = arith.constant 0 : i32
    %c0_i32_4 = arith.constant 0 : i32
    %c0_i32_5 = arith.constant 0 : i32
    return %get3A_3, %c0_i32, %c0_i32_4 : i32, i32, i32
  }
  func.func @transform_5(%arg0: i32, %arg1: memref<16xi32, #tpu.memory_space<smem>>, %arg2: memref<16xi32, #tpu.memory_space<smem>>, %arg3: memref<1xi32, #tpu.memory_space<smem>>) -> (i32, i32, i32) {
    %get3A = arith.constant 0 : index
    %get3A_0 = memref.load %arg3[%get3A] : memref<1xi32, #tpu.memory_space<smem>>
    %sub3A = arith.constant 1 : i32
    %sub3A_1 = arith.subi %get3A_0, %sub3A : i32
    %min3A = arith.minsi %arg0, %sub3A_1 : i32
    %get3A_2 = arith.index_cast %min3A : i32 to index
    %get3A_3 = memref.load %arg1[%get3A_2] : memref<16xi32, #tpu.memory_space<smem>>
    %c0_i32 = arith.constant 0 : i32
    %c0_i32_4 = arith.constant 0 : i32
    %c0_i32_5 = arith.constant 0 : i32
    return %get3A_3, %c0_i32, %c0_i32_4 : i32, i32, i32
  }
  func.func @transform_6(%arg0: i32, %arg1: memref<16xi32, #tpu.memory_space<smem>>, %arg2: memref<16xi32, #tpu.memory_space<smem>>, %arg3: memref<1xi32, #tpu.memory_space<smem>>) -> (i32, i32, i32) {
    %get3A = arith.constant 0 : index
    %get3A_0 = memref.load %arg3[%get3A] : memref<1xi32, #tpu.memory_space<smem>>
    %sub3A = arith.constant 1 : i32
    %sub3A_1 = arith.subi %get3A_0, %sub3A : i32
    %min3A = arith.minsi %arg0, %sub3A_1 : i32
    %get3A_2 = arith.index_cast %min3A : i32 to index
    %get3A_3 = memref.load %arg1[%get3A_2] : memref<16xi32, #tpu.memory_space<smem>>
    %c0_i32 = arith.constant 0 : i32
    %c0_i32_4 = arith.constant 0 : i32
    %c0_i32_5 = arith.constant 0 : i32
    return %get3A_3, %c0_i32, %c0_i32_4 : i32, i32, i32
  }
  func.func @transform_7(%arg0: i32, %arg1: memref<16xi32, #tpu.memory_space<smem>>, %arg2: memref<16xi32, #tpu.memory_space<smem>>, %arg3: memref<1xi32, #tpu.memory_space<smem>>) -> (i32, i32) {
    %get3A = arith.constant 0 : index
    %get3A_0 = memref.load %arg3[%get3A] : memref<1xi32, #tpu.memory_space<smem>>
    %sub3A = arith.constant 1 : i32
    %sub3A_1 = arith.subi %get3A_0, %sub3A : i32
    %min3A = arith.minsi %arg0, %sub3A_1 : i32
    %get3A_2 = arith.index_cast %min3A : i32 to index
    %get3A_3 = memref.load %arg1[%get3A_2] : memref<16xi32, #tpu.memory_space<smem>>
    %mul3A = arith.constant 4 : i32
    %mul3A_4 = arith.muli %get3A_3, %mul3A : i32
    %get3A_5 = arith.index_cast %min3A : i32 to index
    %get3A_6 = memref.load %arg2[%get3A_5] : memref<16xi32, #tpu.memory_space<smem>>
    %add3A = arith.addi %mul3A_4, %get3A_6 : i32
    %c0_i32 = arith.constant 0 : i32
    %c0_i32_7 = arith.constant 0 : i32
    return %add3A, %c0_i32 : i32, i32
  }
}

module attributes {stable_mosaic.version = 14 : i64} {
  func.func @_gating_kernel(%arg0: i32, %arg1: memref<512x1024xf32, #tpu.memory_space<vmem>>, %arg2: memref<1024x8xf32, #tpu.memory_space<vmem>>, %arg3: memref<1x8xf32, #tpu.memory_space<vmem>>, %arg4: memref<512x1xi32, #tpu.memory_space<vmem>>, %arg5: memref<512x1xi32, #tpu.memory_space<vmem>>, %arg6: memref<512x16xf32, #tpu.memory_space<vmem>>, %arg7: memref<512x16xf32, #tpu.memory_space<vmem>>, %arg8: memref<1x16xi32, #tpu.memory_space<vmem>>, %arg9: memref<1x16xi32, #tpu.memory_space<vmem>>, %arg10: memref<1x1xi32, #tpu.memory_space<vmem>>, %arg11: memref<1x1xf32, #tpu.memory_space<vmem>>, %arg12: memref<1x8xf32, #tpu.memory_space<vmem>>, %arg13: memref<1x8xf32, #tpu.memory_space<vmem>>, %arg14: memref<1x8xf32, #tpu.memory_space<vmem>>) attributes {dimension_semantics = [#tpu.dimension_semantics<arbitrary>], iteration_bounds = array<i64: 4>, scalar_prefetch = 0 : i64, scratch_operands = 3 : i64, tpu.core_type = #tpu.core_type<tc>, window_params = [{transform_indices = @transform_0, window_bounds = array<i64: 512, 1024>}, {pipeline_mode = #tpu.pipeline_mode<synchronous>, transform_indices = @transform_1, window_bounds = array<i64: 1024, 8>}, {pipeline_mode = #tpu.pipeline_mode<synchronous>, transform_indices = @transform_2, window_bounds = array<i64: 1, 8>}, {transform_indices = @transform_3, window_bounds = array<i64: 512, 1>}, {transform_indices = @transform_4, window_bounds = array<i64: 512, 1>}, {transform_indices = @transform_5, window_bounds = array<i64: 512, 16>}, {transform_indices = @transform_6, window_bounds = array<i64: 512, 16>}, {pipeline_mode = #tpu.pipeline_mode<synchronous>, transform_indices = @transform_7, window_bounds = array<i64: 1, 16>}, {pipeline_mode = #tpu.pipeline_mode<synchronous>, transform_indices = @transform_8, window_bounds = array<i64: 1, 16>}, {pipeline_mode = #tpu.pipeline_mode<synchronous>, transform_indices = @transform_9, window_bounds = array<i64: 1, 1>}, {pipeline_mode = #tpu.pipeline_mode<synchronous>, transform_indices = @transform_10, window_bounds = array<i64: 1, 1>}]} {
    %eq3A = arith.constant 0 : i32
    %eq3A_0 = arith.cmpi eq, %arg0, %eq3A : i32
    %convert_element_type3A = arith.extui %eq3A_0 : i1 to i32
    %cond3A = arith.constant 0 : i32
    %cond3A_1 = arith.cmpi ne, %convert_element_type3A, %cond3A : i32
    scf.if %cond3A_1 {
      %broadcast_in_dim3A_143 = arith.constant 0.000000e+00 : f32
      %broadcast_in_dim3A_144 = vector.broadcast %broadcast_in_dim3A_143 : f32 to vector<1x8xf32>
      %swap3A_145 = arith.constant 0 : index
      %swap3A_146 = arith.constant 0 : index
      %swap3A_147 = vector.load %arg12[%swap3A_145, %swap3A_146] : memref<1x8xf32, #tpu.memory_space<vmem>>, vector<1x8xf32>
      tpu.vector_store %arg12[%swap3A_145, %swap3A_146], %broadcast_in_dim3A_144 {strides = array<i32>} : memref<1x8xf32, #tpu.memory_space<vmem>>, vector<1x8xf32>,
      %broadcast_in_dim3A_148 = arith.constant 0.000000e+00 : f32
      %broadcast_in_dim3A_149 = vector.broadcast %broadcast_in_dim3A_148 : f32 to vector<1x8xf32>
      %swap3A_150 = arith.constant 0 : index
      %swap3A_151 = arith.constant 0 : index
      %swap3A_152 = vector.load %arg13[%swap3A_150, %swap3A_151] : memref<1x8xf32, #tpu.memory_space<vmem>>, vector<1x8xf32>
      tpu.vector_store %arg13[%swap3A_150, %swap3A_151], %broadcast_in_dim3A_149 {strides = array<i32>} : memref<1x8xf32, #tpu.memory_space<vmem>>, vector<1x8xf32>,
      %broadcast_in_dim3A_153 = arith.constant 0.000000e+00 : f32
      %broadcast_in_dim3A_154 = vector.broadcast %broadcast_in_dim3A_153 : f32 to vector<1x8xf32>
      %swap3A_155 = arith.constant 0 : index
      %swap3A_156 = arith.constant 0 : index
      %swap3A_157 = vector.load %arg14[%swap3A_155, %swap3A_156] : memref<1x8xf32, #tpu.memory_space<vmem>>, vector<1x8xf32>
      tpu.vector_store %arg14[%swap3A_155, %swap3A_156], %broadcast_in_dim3A_154 {strides = array<i32>} : memref<1x8xf32, #tpu.memory_space<vmem>>, vector<1x8xf32>,
    } else {
    }
    %get3A = arith.constant 0 : index
    %get3A_2 = arith.constant 0 : index
    %get3A_3 = vector.load %arg1[%get3A, %get3A_2] : memref<512x1024xf32, #tpu.memory_space<vmem>>, vector<512x1024xf32>
    %get3A_4 = arith.constant 0 : index
    %get3A_5 = arith.constant 0 : index
    %get3A_6 = vector.load %arg2[%get3A_4, %get3A_5] : memref<1024x8xf32, #tpu.memory_space<vmem>>, vector<1024x8xf32>
    %dot_general3A = arith.constant dense<0.000000e+00> : vector<512x8xf32>
    %dot_general3A_7 = tpu.matmul %get3A_3, %get3A_6, %dot_general3A {dimension_numbers = #tpu.dot_dimension_numbers<[1], [0], [0], [1], [0, 0, 1, 1], [], []>, transpose_lhs_hint = false} : vector<512x1024xf32>, vector<1024x8xf32>, vector<512x8xf32> -> vector<512x8xf32>
    %get3A_8 = arith.constant 0 : index
    %get3A_9 = arith.constant 0 : index
    %get3A_10 = vector.load %arg3[%get3A_8, %get3A_9] : memref<1x8xf32, #tpu.memory_space<vmem>>, vector<1x8xf32>
    %add3A = vector.broadcast %get3A_10 : vector<1x8xf32> to vector<512x8xf32>
    %add3A_11 = arith.addf %dot_general3A_7, %add3A : vector<512x8xf32>
    %iota3A = tpu.iota {dimensions = array<i32: 1>} : vector<512x8xi32>
    %reduce_max3A = arith.constant dense<0xFF800000> : vector<512xf32>
    %reduce_max3A_12 = vector.multi_reduction <maximumf>, %add3A_11, %reduce_max3A [1] : vector<512x8xf32> to vector<512xf32>
    %broadcast_in_dim3A = vector.shape_cast %reduce_max3A_12 : vector<512xf32> to vector<512x1xf32>
    %eq3A_13 = vector.broadcast %broadcast_in_dim3A : vector<512x1xf32> to vector<512x8xf32>
    %eq3A_14 = arith.cmpf oeq, %add3A_11, %eq3A_13 : vector<512x8xf32>
    %jit3A = arith.constant 8 : i32
    %broadcast_in_dim3A_15 = vector.broadcast %jit3A : i32 to vector<512x8xi32>
    %select_n3A = arith.select %eq3A_14, %iota3A, %broadcast_in_dim3A_15 : vector<512x8xi1>, vector<512x8xi32>
    %reduce_min3A = arith.constant dense<2147483647> : vector<512xi32>
    %reduce_min3A_16 = vector.multi_reduction <minsi>, %select_n3A, %reduce_min3A [1] : vector<512x8xi32> to vector<512xi32>
    %broadcast_in_dim3A_17 = vector.shape_cast %reduce_min3A_16 : vector<512xi32> to vector<512x1xi32>
    %eq3A_18 = vector.broadcast %broadcast_in_dim3A_17 : vector<512x1xi32> to vector<512x8xi32>
    %eq3A_19 = arith.cmpi eq, %iota3A, %eq3A_18 : vector<512x8xi32>
    %jit3A_20 = arith.constant -1.000000e+30 : f32
    %broadcast_in_dim3A_21 = vector.broadcast %jit3A_20 : f32 to vector<512x8xf32>
    %select_n3A_22 = arith.select %eq3A_19, %broadcast_in_dim3A_21, %add3A_11 : vector<512x8xi1>, vector<512x8xf32>
    %reduce_max3A_23 = arith.constant dense<0xFF800000> : vector<512xf32>
    %reduce_max3A_24 = vector.multi_reduction <maximumf>, %select_n3A_22, %reduce_max3A_23 [1] : vector<512x8xf32> to vector<512xf32>
    %broadcast_in_dim3A_25 = vector.shape_cast %reduce_max3A_24 : vector<512xf32> to vector<512x1xf32>
    %eq3A_26 = vector.broadcast %broadcast_in_dim3A_25 : vector<512x1xf32> to vector<512x8xf32>
    %eq3A_27 = arith.cmpf oeq, %select_n3A_22, %eq3A_26 : vector<512x8xf32>
    %jit3A_28 = arith.constant 8 : i32
    %broadcast_in_dim3A_29 = vector.broadcast %jit3A_28 : i32 to vector<512x8xi32>
    %select_n3A_30 = arith.select %eq3A_27, %iota3A, %broadcast_in_dim3A_29 : vector<512x8xi1>, vector<512x8xi32>
    %reduce_min3A_31 = arith.constant dense<2147483647> : vector<512xi32>
    %reduce_min3A_32 = vector.multi_reduction <minsi>, %select_n3A_30, %reduce_min3A_31 [1] : vector<512x8xi32> to vector<512xi32>
    %broadcast_in_dim3A_33 = vector.shape_cast %reduce_min3A_32 : vector<512xi32> to vector<512x1xi32>
    %sub3A = arith.subf %broadcast_in_dim3A_25, %broadcast_in_dim3A : vector<512x1xf32>
    %exp3A = math.exp %sub3A : vector<512x1xf32>
    %add3A_34 = arith.constant 1.000000e+00 : f32
    %add3A_35 = vector.broadcast %add3A_34 : f32 to vector<512x1xf32>
    %add3A_36 = arith.addf %add3A_35, %exp3A : vector<512x1xf32>
    %div3A = arith.constant 1.000000e+00 : f32
    %div3A_37 = vector.broadcast %div3A : f32 to vector<512x1xf32>
    %div3A_38 = arith.divf %div3A_37, %add3A_36 : vector<512x1xf32>
    %div3A_39 = arith.divf %exp3A, %add3A_36 : vector<512x1xf32>
    %eq3A_40 = vector.broadcast %broadcast_in_dim3A_17 : vector<512x1xi32> to vector<512x8xi32>
    %eq3A_41 = arith.cmpi eq, %iota3A, %eq3A_40 : vector<512x8xi32>
    %eq3A_42 = vector.broadcast %broadcast_in_dim3A_33 : vector<512x1xi32> to vector<512x8xi32>
    %eq3A_43 = arith.cmpi eq, %iota3A, %eq3A_42 : vector<512x8xi32>
    %jit3A_44 = arith.constant 0.000000e+00 : f32
    %broadcast_in_dim3A_45 = vector.shape_cast %div3A_39 : vector<512x1xf32> to vector<512x1xf32>
    %broadcast_in_dim3A_46 = vector.broadcast %broadcast_in_dim3A_45 : vector<512x1xf32> to vector<512x8xf32>
    %broadcast_in_dim3A_47 = vector.broadcast %jit3A_44 : f32 to vector<512x8xf32>
    %select_n3A_48 = arith.select %eq3A_43, %broadcast_in_dim3A_46, %broadcast_in_dim3A_47 : vector<512x8xi1>, vector<512x8xf32>
    %broadcast_in_dim3A_49 = vector.shape_cast %div3A_38 : vector<512x1xf32> to vector<512x1xf32>
    %broadcast_in_dim3A_50 = vector.broadcast %broadcast_in_dim3A_49 : vector<512x1xf32> to vector<512x8xf32>
    %select_n3A_51 = arith.select %eq3A_41, %broadcast_in_dim3A_50, %select_n3A_48 : vector<512x8xi1>, vector<512x8xf32>
    %or3A = arith.ori %eq3A_41, %eq3A_43 : vector<512x8xi1>
    %jit3A_52 = arith.constant 1.000000e+00 : f32
    %jit3A_53 = arith.constant 0.000000e+00 : f32
    %broadcast_in_dim3A_54 = vector.broadcast %jit3A_52 : f32 to vector<512x8xf32>
    %broadcast_in_dim3A_55 = vector.broadcast %jit3A_53 : f32 to vector<512x8xf32>
    %select_n3A_56 = arith.select %or3A, %broadcast_in_dim3A_54, %broadcast_in_dim3A_55 : vector<512x8xi1>, vector<512x8xf32>
    %iota3A_57 = tpu.iota {dimensions = array<i32: 0>} : vector<512x512xi32>
    %iota3A_58 = tpu.iota {dimensions = array<i32: 1>} : vector<512x512xi32>
    %gt3A = arith.cmpi sgt, %iota3A_57, %iota3A_58 : vector<512x512xi32>
    %convert_element_type3A_59 = arith.extui %gt3A : vector<512x512xi1> to vector<512x512xi32>
    %convert_element_type3A_60 = arith.sitofp %convert_element_type3A_59 : vector<512x512xi32> to vector<512x512xf32>
    %dot_general3A_61 = arith.constant dense<0.000000e+00> : vector<512x8xf32>
    %dot_general3A_62 = tpu.matmul %convert_element_type3A_60, %select_n3A_56, %dot_general3A_61 {dimension_numbers = #tpu.dot_dimension_numbers<[1], [0], [0], [1], [0, 0, 1, 1], [], []>, transpose_lhs_hint = false} : vector<512x512xf32>, vector<512x8xf32>, vector<512x8xf32> -> vector<512x8xf32>
    %get3A_63 = arith.constant 0 : index
    %get3A_64 = arith.constant 0 : index
    %get3A_65 = vector.load %arg12[%get3A_63, %get3A_64] : memref<1x8xf32, #tpu.memory_space<vmem>>, vector<1x8xf32>
    %add3A_66 = vector.broadcast %get3A_65 : vector<1x8xf32> to vector<512x8xf32>
    %add3A_67 = arith.addf %add3A_66, %dot_general3A_62 : vector<512x8xf32>
    %jit3A_68 = arith.constant 0.000000e+00 : f32
    %broadcast_in_dim3A_69 = vector.broadcast %jit3A_68 : f32 to vector<512x8xf32>
    %select_n3A_70 = arith.select %eq3A_41, %add3A_67, %broadcast_in_dim3A_69 : vector<512x8xi1>, vector<512x8xf32>
    %reduce_sum3A = arith.constant dense<0.000000e+00> : vector<512xf32>
    %reduce_sum3A_71 = vector.multi_reduction <add>, %select_n3A_70, %reduce_sum3A [1] : vector<512x8xf32> to vector<512xf32>
    %broadcast_in_dim3A_72 = vector.shape_cast %reduce_sum3A_71 : vector<512xf32> to vector<512x1xf32>
    %jit3A_73 = arith.constant 0.000000e+00 : f32
    %broadcast_in_dim3A_74 = vector.broadcast %jit3A_73 : f32 to vector<512x8xf32>
    %select_n3A_75 = arith.select %eq3A_43, %add3A_67, %broadcast_in_dim3A_74 : vector<512x8xi1>, vector<512x8xf32>
    %reduce_sum3A_76 = arith.constant dense<0.000000e+00> : vector<512xf32>
    %reduce_sum3A_77 = vector.multi_reduction <add>, %select_n3A_75, %reduce_sum3A_76 [1] : vector<512x8xf32> to vector<512xf32>
    %broadcast_in_dim3A_78 = vector.shape_cast %reduce_sum3A_77 : vector<512xf32> to vector<512x1xf32>
    %mul3A = arith.constant 2048 : i32
    %mul3A_79 = vector.broadcast %mul3A : i32 to vector<512x1xi32>
    %mul3A_80 = arith.muli %broadcast_in_dim3A_17, %mul3A_79 : vector<512x1xi32>
    %convert_element_type3A_81 = arith.fptosi %broadcast_in_dim3A_72 : vector<512x1xf32> to vector<512x1xi32>
    %add3A_82 = arith.addi %mul3A_80, %convert_element_type3A_81 : vector<512x1xi32>
    %swap3A = arith.constant 0 : index
    %swap3A_83 = arith.constant 0 : index
    %swap3A_84 = vector.load %arg4[%swap3A, %swap3A_83] : memref<512x1xi32, #tpu.memory_space<vmem>>, vector<512x1xi32>
    tpu.vector_store %arg4[%swap3A, %swap3A_83], %add3A_82 {strides = array<i32>} : memref<512x1xi32, #tpu.memory_space<vmem>>, vector<512x1xi32>,
    %mul3A_85 = arith.constant 2048 : i32
    %mul3A_86 = vector.broadcast %mul3A_85 : i32 to vector<512x1xi32>
    %mul3A_87 = arith.muli %broadcast_in_dim3A_33, %mul3A_86 : vector<512x1xi32>
    %convert_element_type3A_88 = arith.fptosi %broadcast_in_dim3A_78 : vector<512x1xf32> to vector<512x1xi32>
    %add3A_89 = arith.addi %mul3A_87, %convert_element_type3A_88 : vector<512x1xi32>
    %swap3A_90 = arith.constant 0 : index
    %swap3A_91 = arith.constant 0 : index
    %swap3A_92 = vector.load %arg5[%swap3A_90, %swap3A_91] : memref<512x1xi32, #tpu.memory_space<vmem>>, vector<512x1xi32>
    tpu.vector_store %arg5[%swap3A_90, %swap3A_91], %add3A_89 {strides = array<i32>} : memref<512x1xi32, #tpu.memory_space<vmem>>, vector<512x1xi32>,
    %broadcast_in_dim3A_93 = vector.shape_cast %div3A_38 : vector<512x1xf32> to vector<512x1xf32>
    %broadcast_in_dim3A_94 = vector.broadcast %broadcast_in_dim3A_93 : vector<512x1xf32> to vector<512x16xf32>
    %swap3A_95 = arith.constant 0 : index
    %swap3A_96 = arith.constant 0 : index
    %swap3A_97 = vector.load %arg6[%swap3A_95, %swap3A_96] : memref<512x16xf32, #tpu.memory_space<vmem>>, vector<512x16xf32>
    tpu.vector_store %arg6[%swap3A_95, %swap3A_96], %broadcast_in_dim3A_94 {strides = array<i32>} : memref<512x16xf32, #tpu.memory_space<vmem>>, vector<512x16xf32>,
    %broadcast_in_dim3A_98 = vector.shape_cast %div3A_39 : vector<512x1xf32> to vector<512x1xf32>
    %broadcast_in_dim3A_99 = vector.broadcast %broadcast_in_dim3A_98 : vector<512x1xf32> to vector<512x16xf32>
    %swap3A_100 = arith.constant 0 : index
    %swap3A_101 = arith.constant 0 : index
    %swap3A_102 = vector.load %arg7[%swap3A_100, %swap3A_101] : memref<512x16xf32, #tpu.memory_space<vmem>>, vector<512x16xf32>
    tpu.vector_store %arg7[%swap3A_100, %swap3A_101], %broadcast_in_dim3A_99 {strides = array<i32>} : memref<512x16xf32, #tpu.memory_space<vmem>>, vector<512x16xf32>,
    %get3A_103 = arith.constant 0 : index
    %get3A_104 = arith.constant 0 : index
    %get3A_105 = vector.load %arg12[%get3A_103, %get3A_104] : memref<1x8xf32, #tpu.memory_space<vmem>>, vector<1x8xf32>
    %reduce_sum3A_106 = arith.constant dense<0.000000e+00> : vector<8xf32>
    %reduce_sum3A_107 = vector.multi_reduction <add>, %select_n3A_56, %reduce_sum3A_106 [0] : vector<512x8xf32> to vector<8xf32>
    %broadcast_in_dim3A_108 = vector.shape_cast %reduce_sum3A_107 : vector<8xf32> to vector<1x8xf32>
    %add3A_109 = arith.addf %get3A_105, %broadcast_in_dim3A_108 : vector<1x8xf32>
    %swap3A_110 = arith.constant 0 : index
    %swap3A_111 = arith.constant 0 : index
    %swap3A_112 = vector.load %arg12[%swap3A_110, %swap3A_111] : memref<1x8xf32, #tpu.memory_space<vmem>>, vector<1x8xf32>
    tpu.vector_store %arg12[%swap3A_110, %swap3A_111], %add3A_109 {strides = array<i32>} : memref<1x8xf32, #tpu.memory_space<vmem>>, vector<1x8xf32>,
    %get3A_113 = arith.constant 0 : index
    %get3A_114 = arith.constant 0 : index
    %get3A_115 = vector.load %arg13[%get3A_113, %get3A_114] : memref<1x8xf32, #tpu.memory_space<vmem>>, vector<1x8xf32>
    %reduce_sum3A_116 = arith.constant dense<0.000000e+00> : vector<8xf32>
    %reduce_sum3A_117 = vector.multi_reduction <add>, %select_n3A_51, %reduce_sum3A_116 [0] : vector<512x8xf32> to vector<8xf32>
    %broadcast_in_dim3A_118 = vector.shape_cast %reduce_sum3A_117 : vector<8xf32> to vector<1x8xf32>
    %add3A_119 = arith.addf %get3A_115, %broadcast_in_dim3A_118 : vector<1x8xf32>
    %swap3A_120 = arith.constant 0 : index
    %swap3A_121 = arith.constant 0 : index
    %swap3A_122 = vector.load %arg13[%swap3A_120, %swap3A_121] : memref<1x8xf32, #tpu.memory_space<vmem>>, vector<1x8xf32>
    tpu.vector_store %arg13[%swap3A_120, %swap3A_121], %add3A_119 {strides = array<i32>} : memref<1x8xf32, #tpu.memory_space<vmem>>, vector<1x8xf32>,
    %get3A_123 = arith.constant 0 : index
    %get3A_124 = arith.constant 0 : index
    %get3A_125 = vector.load %arg14[%get3A_123, %get3A_124] : memref<1x8xf32, #tpu.memory_space<vmem>>, vector<1x8xf32>
    %gt3A_126 = arith.constant 0.000000e+00 : f32
    %gt3A_127 = vector.broadcast %gt3A_126 : f32 to vector<512x8xf32>
    %gt3A_128 = arith.cmpf ogt, %select_n3A_51, %gt3A_127 : vector<512x8xf32>
    %convert_element_type3A_129 = arith.extui %gt3A_128 : vector<512x8xi1> to vector<512x8xi32>
    %convert_element_type3A_130 = arith.sitofp %convert_element_type3A_129 : vector<512x8xi32> to vector<512x8xf32>
    %reduce_sum3A_131 = arith.constant dense<0.000000e+00> : vector<8xf32>
    %reduce_sum3A_132 = vector.multi_reduction <add>, %convert_element_type3A_130, %reduce_sum3A_131 [0] : vector<512x8xf32> to vector<8xf32>
    %broadcast_in_dim3A_133 = vector.shape_cast %reduce_sum3A_132 : vector<8xf32> to vector<1x8xf32>
    %add3A_134 = arith.addf %get3A_125, %broadcast_in_dim3A_133 : vector<1x8xf32>
    %swap3A_135 = arith.constant 0 : index
    %swap3A_136 = arith.constant 0 : index
    %swap3A_137 = vector.load %arg14[%swap3A_135, %swap3A_136] : memref<1x8xf32, #tpu.memory_space<vmem>>, vector<1x8xf32>
    tpu.vector_store %arg14[%swap3A_135, %swap3A_136], %add3A_134 {strides = array<i32>} : memref<1x8xf32, #tpu.memory_space<vmem>>, vector<1x8xf32>,
    %eq3A_138 = arith.constant 3 : i32
    %eq3A_139 = arith.cmpi eq, %arg0, %eq3A_138 : i32
    %convert_element_type3A_140 = arith.extui %eq3A_139 : i1 to i32
    %cond3A_141 = arith.constant 0 : i32
    %cond3A_142 = arith.cmpi ne, %convert_element_type3A_140, %cond3A_141 : i32
    scf.if %cond3A_142 {
      %get3A_143 = arith.constant 0 : index
      %get3A_144 = arith.constant 0 : index
      %get3A_145 = vector.load %arg12[%get3A_143, %get3A_144] : memref<1x8xf32, #tpu.memory_space<vmem>>, vector<1x8xf32>
      %convert_element_type3A_146 = arith.fptosi %get3A_145 : vector<1x8xf32> to vector<1x8xi32>
      %add3A_147 = arith.constant 512 : i32
      %add3A_148 = vector.broadcast %add3A_147 : i32 to vector<1x8xi32>
      %add3A_149 = arith.addi %convert_element_type3A_146, %add3A_148 : vector<1x8xi32>
      %sub3A_150 = arith.constant 1 : i32
      %sub3A_151 = vector.broadcast %sub3A_150 : i32 to vector<1x8xi32>
      %sub3A_152 = arith.subi %add3A_149, %sub3A_151 : vector<1x8xi32>
      %jit3A_153 = arith.constant 512 : i32
      %div3A_154 = vector.broadcast %jit3A_153 : i32 to vector<1x8xi32>
      %div3A_155 = arith.divsi %sub3A_152, %div3A_154 : vector<1x8xi32>
      %sign3A = arith.constant 0 : i32
      %sign3A_156 = vector.broadcast %sign3A : i32 to vector<1x8xi32>
      %sign3A_157 = arith.cmpi sgt, %sub3A_152, %sign3A_156 : vector<1x8xi32>
      %sign3A_158 = arith.extui %sign3A_157 : vector<1x8xi1> to vector<1x8xi32>
      %sign3A_159 = arith.constant 0 : i32
      %sign3A_160 = vector.broadcast %sign3A_159 : i32 to vector<1x8xi32>
      %sign3A_161 = arith.cmpi slt, %sub3A_152, %sign3A_160 : vector<1x8xi32>
      %sign3A_162 = arith.extui %sign3A_161 : vector<1x8xi1> to vector<1x8xi32>
      %sign3A_163 = arith.subi %sign3A_158, %sign3A_162 : vector<1x8xi32>
      %sign3A_164 = arith.constant 0 : i32
      %sign3A_165 = arith.cmpi sgt, %jit3A_153, %sign3A_164 : i32
      %sign3A_166 = arith.extui %sign3A_165 : i1 to i32
      %sign3A_167 = arith.constant 0 : i32
      %sign3A_168 = arith.cmpi slt, %jit3A_153, %sign3A_167 : i32
      %sign3A_169 = arith.extui %sign3A_168 : i1 to i32
      %sign3A_170 = arith.subi %sign3A_166, %sign3A_169 : i32
      %ne3A = vector.broadcast %sign3A_170 : i32 to vector<1x8xi32>
      %ne3A_171 = arith.cmpi ne, %sign3A_163, %ne3A : vector<1x8xi32>
      %rem3A = vector.broadcast %jit3A_153 : i32 to vector<1x8xi32>
      %rem3A_172 = arith.remsi %sub3A_152, %rem3A : vector<1x8xi32>
      %ne3A_173 = arith.constant 0 : i32
      %ne3A_174 = vector.broadcast %ne3A_173 : i32 to vector<1x8xi32>
      %ne3A_175 = arith.cmpi ne, %rem3A_172, %ne3A_174 : vector<1x8xi32>
      %and3A = arith.andi %ne3A_171, %ne3A_175 : vector<1x8xi1>
      %sub3A_176 = arith.constant 1 : i32
      %sub3A_177 = vector.broadcast %sub3A_176 : i32 to vector<1x8xi32>
      %sub3A_178 = arith.subi %div3A_155, %sub3A_177 : vector<1x8xi32>
      %select_n3A_179 = arith.select %and3A, %sub3A_178, %div3A_155 : vector<1x8xi1>, vector<1x8xi32>
      %iota3A_180 = tpu.iota {dimensions = array<i32: 1>} : vector<1x8xi32>
      %iota3A_181 = tpu.iota {dimensions = array<i32: 0>} : vector<8x8xi32>
      %iota3A_182 = tpu.iota {dimensions = array<i32: 1>} : vector<8x8xi32>
      %lt3A = arith.cmpi slt, %iota3A_181, %iota3A_182 : vector<8x8xi32>
      %convert_element_type3A_183 = arith.extui %lt3A : vector<8x8xi1> to vector<8x8xi32>
      %convert_element_type3A_184 = arith.sitofp %convert_element_type3A_183 : vector<8x8xi32> to vector<8x8xf32>
      %convert_element_type3A_185 = arith.sitofp %select_n3A_179 : vector<1x8xi32> to vector<1x8xf32>
      %dot_general3A_186 = arith.constant dense<0.000000e+00> : vector<1x8xf32>
      %dot_general3A_187 = tpu.matmul %convert_element_type3A_185, %convert_element_type3A_184, %dot_general3A_186 {dimension_numbers = #tpu.dot_dimension_numbers<[1], [0], [0], [1], [0, 0, 1, 1], [], []>, transpose_lhs_hint = false} : vector<1x8xf32>, vector<8x8xf32>, vector<1x8xf32> -> vector<1x8xf32>
      %convert_element_type3A_188 = arith.fptosi %dot_general3A_187 : vector<1x8xf32> to vector<1x8xi32>
      %iota3A_189 = tpu.iota {dimensions = array<i32: 0>} : vector<16x8xi32>
      %ge3A = vector.broadcast %convert_element_type3A_188 : vector<1x8xi32> to vector<16x8xi32>
      %ge3A_190 = arith.cmpi sge, %iota3A_189, %ge3A : vector<16x8xi32>
      %add3A_191 = arith.addi %convert_element_type3A_188, %select_n3A_179 : vector<1x8xi32>
      %lt3A_192 = vector.broadcast %add3A_191 : vector<1x8xi32> to vector<16x8xi32>
      %lt3A_193 = arith.cmpi slt, %iota3A_189, %lt3A_192 : vector<16x8xi32>
      %and3A_194 = arith.andi %ge3A_190, %lt3A_193 : vector<16x8xi1>
      %jit3A_195 = arith.constant 0 : i32
      %broadcast_in_dim3A_196 = vector.shape_cast %iota3A_180 : vector<1x8xi32> to vector<1x8xi32>
      %broadcast_in_dim3A_197 = vector.broadcast %broadcast_in_dim3A_196 : vector<1x8xi32> to vector<16x8xi32>
      %broadcast_in_dim3A_198 = vector.broadcast %jit3A_195 : i32 to vector<16x8xi32>
      %select_n3A_199 = arith.select %and3A_194, %broadcast_in_dim3A_197, %broadcast_in_dim3A_198 : vector<16x8xi1>, vector<16x8xi32>
      %reduce_sum3A_200 = arith.constant dense<0> : vector<16xi32>
      %reduce_sum3A_201 = vector.multi_reduction <add>, %select_n3A_199, %reduce_sum3A_200 [1] : vector<16x8xi32> to vector<16xi32>
      %sub3A_202 = vector.broadcast %convert_element_type3A_188 : vector<1x8xi32> to vector<16x8xi32>
      %sub3A_203 = arith.subi %iota3A_189, %sub3A_202 : vector<16x8xi32>
      %jit3A_204 = arith.constant 0 : i32
      %broadcast_in_dim3A_205 = vector.broadcast %jit3A_204 : i32 to vector<16x8xi32>
      %select_n3A_206 = arith.select %and3A_194, %sub3A_203, %broadcast_in_dim3A_205 : vector<16x8xi1>, vector<16x8xi32>
      %reduce_sum3A_207 = arith.constant dense<0> : vector<16xi32>
      %reduce_sum3A_208 = vector.multi_reduction <add>, %select_n3A_206, %reduce_sum3A_207 [1] : vector<16x8xi32> to vector<16xi32>
      %broadcast_in_dim3A_209 = vector.shape_cast %reduce_sum3A_201 : vector<16xi32> to vector<1x16xi32>
      %swap3A_210 = arith.constant 0 : index
      %swap3A_211 = arith.constant 0 : index
      %swap3A_212 = vector.load %arg8[%swap3A_210, %swap3A_211] : memref<1x16xi32, #tpu.memory_space<vmem>>, vector<1x16xi32>
      tpu.vector_store %arg8[%swap3A_210, %swap3A_211], %broadcast_in_dim3A_209 {strides = array<i32>} : memref<1x16xi32, #tpu.memory_space<vmem>>, vector<1x16xi32>,
      %broadcast_in_dim3A_213 = vector.shape_cast %reduce_sum3A_208 : vector<16xi32> to vector<1x16xi32>
      %swap3A_214 = arith.constant 0 : index
      %swap3A_215 = arith.constant 0 : index
      %swap3A_216 = vector.load %arg9[%swap3A_214, %swap3A_215] : memref<1x16xi32, #tpu.memory_space<vmem>>, vector<1x16xi32>
      tpu.vector_store %arg9[%swap3A_214, %swap3A_215], %broadcast_in_dim3A_213 {strides = array<i32>} : memref<1x16xi32, #tpu.memory_space<vmem>>, vector<1x16xi32>,
      %reduce_sum3A_217 = arith.constant dense<0> : vector<1xi32>
      %reduce_sum3A_218 = vector.multi_reduction <add>, %select_n3A_179, %reduce_sum3A_217 [1] : vector<1x8xi32> to vector<1xi32>
      %broadcast_in_dim3A_219 = vector.shape_cast %reduce_sum3A_218 : vector<1xi32> to vector<1x1xi32>
      %swap3A_220 = arith.constant 0 : index
      %swap3A_221 = arith.constant 0 : index
      %swap3A_222 = vector.load %arg10[%swap3A_220, %swap3A_221] : memref<1x1xi32, #tpu.memory_space<vmem>>, vector<1x1xi32>
      tpu.vector_store %arg10[%swap3A_220, %swap3A_221], %broadcast_in_dim3A_219 {strides = array<i32>} : memref<1x1xi32, #tpu.memory_space<vmem>>, vector<1x1xi32>,
      %get3A_223 = arith.constant 0 : index
      %get3A_224 = arith.constant 0 : index
      %get3A_225 = vector.load %arg13[%get3A_223, %get3A_224] : memref<1x8xf32, #tpu.memory_space<vmem>>, vector<1x8xf32>
      %reduce_sum3A_226 = arith.constant dense<0.000000e+00> : vector<1xf32>
      %reduce_sum3A_227 = vector.multi_reduction <add>, %get3A_225, %reduce_sum3A_226 [1] : vector<1x8xf32> to vector<1xf32>
      %broadcast_in_dim3A_228 = vector.shape_cast %reduce_sum3A_227 : vector<1xf32> to vector<1x1xf32>
      %div3A_229 = arith.constant 8.000000e+00 : f32
      %div3A_230 = vector.broadcast %div3A_229 : f32 to vector<1x1xf32>
      %div3A_231 = arith.divf %broadcast_in_dim3A_228, %div3A_230 : vector<1x1xf32>
      %sub3A_232 = vector.broadcast %div3A_231 : vector<1x1xf32> to vector<1x8xf32>
      %sub3A_233 = arith.subf %get3A_225, %sub3A_232 : vector<1x8xf32>
      %integer_pow3A = arith.mulf %sub3A_233, %sub3A_233 : vector<1x8xf32>
      %reduce_sum3A_234 = arith.constant dense<0.000000e+00> : vector<1xf32>
      %reduce_sum3A_235 = vector.multi_reduction <add>, %integer_pow3A, %reduce_sum3A_234 [1] : vector<1x8xf32> to vector<1xf32>
      %broadcast_in_dim3A_236 = vector.shape_cast %reduce_sum3A_235 : vector<1xf32> to vector<1x1xf32>
      %div3A_237 = arith.constant 7.000000e+00 : f32
      %div3A_238 = vector.broadcast %div3A_237 : f32 to vector<1x1xf32>
      %div3A_239 = arith.divf %broadcast_in_dim3A_236, %div3A_238 : vector<1x1xf32>
      %sqrt3A = math.sqrt %div3A_239 : vector<1x1xf32>
      %add3A_240 = arith.constant 9.99999993E-9 : f32
      %add3A_241 = vector.broadcast %add3A_240 : f32 to vector<1x1xf32>
      %add3A_242 = arith.addf %div3A_231, %add3A_241 : vector<1x1xf32>
      %div3A_243 = arith.divf %sqrt3A, %add3A_242 : vector<1x1xf32>
      %get3A_244 = arith.constant 0 : index
      %get3A_245 = arith.constant 0 : index
      %get3A_246 = vector.load %arg14[%get3A_244, %get3A_245] : memref<1x8xf32, #tpu.memory_space<vmem>>, vector<1x8xf32>
      %reduce_sum3A_247 = arith.constant dense<0.000000e+00> : vector<1xf32>
      %reduce_sum3A_248 = vector.multi_reduction <add>, %get3A_246, %reduce_sum3A_247 [1] : vector<1x8xf32> to vector<1xf32>
      %broadcast_in_dim3A_249 = vector.shape_cast %reduce_sum3A_248 : vector<1xf32> to vector<1x1xf32>
      %div3A_250 = arith.constant 8.000000e+00 : f32
      %div3A_251 = vector.broadcast %div3A_250 : f32 to vector<1x1xf32>
      %div3A_252 = arith.divf %broadcast_in_dim3A_249, %div3A_251 : vector<1x1xf32>
      %sub3A_253 = vector.broadcast %div3A_252 : vector<1x1xf32> to vector<1x8xf32>
      %sub3A_254 = arith.subf %get3A_246, %sub3A_253 : vector<1x8xf32>
      %integer_pow3A_255 = arith.mulf %sub3A_254, %sub3A_254 : vector<1x8xf32>
      %reduce_sum3A_256 = arith.constant dense<0.000000e+00> : vector<1xf32>
      %reduce_sum3A_257 = vector.multi_reduction <add>, %integer_pow3A_255, %reduce_sum3A_256 [1] : vector<1x8xf32> to vector<1xf32>
      %broadcast_in_dim3A_258 = vector.shape_cast %reduce_sum3A_257 : vector<1xf32> to vector<1x1xf32>
      %div3A_259 = arith.constant 7.000000e+00 : f32
      %div3A_260 = vector.broadcast %div3A_259 : f32 to vector<1x1xf32>
      %div3A_261 = arith.divf %broadcast_in_dim3A_258, %div3A_260 : vector<1x1xf32>
      %sqrt3A_262 = math.sqrt %div3A_261 : vector<1x1xf32>
      %add3A_263 = arith.constant 9.99999993E-9 : f32
      %add3A_264 = vector.broadcast %add3A_263 : f32 to vector<1x1xf32>
      %add3A_265 = arith.addf %div3A_252, %add3A_264 : vector<1x1xf32>
      %div3A_266 = arith.divf %sqrt3A_262, %add3A_265 : vector<1x1xf32>
      %add3A_267 = arith.addf %div3A_243, %div3A_266 : vector<1x1xf32>
      %swap3A_268 = arith.constant 0 : index
      %swap3A_269 = arith.constant 0 : index
      %swap3A_270 = vector.load %arg11[%swap3A_268, %swap3A_269] : memref<1x1xf32, #tpu.memory_space<vmem>>, vector<1x1xf32>
      tpu.vector_store %arg11[%swap3A_268, %swap3A_269], %add3A_267 {strides = array<i32>} : memref<1x1xf32, #tpu.memory_space<vmem>>, vector<1x1xf32>,
    } else {
    }
    return
  }
  func.func @transform_0(%arg0: i32) -> (i32, i32) {
    %c0_i32 = arith.constant 0 : i32
    %c0_i32_0 = arith.constant 0 : i32
    return %arg0, %c0_i32 : i32, i32
  }
  func.func @transform_1(%arg0: i32) -> (i32, i32) {
    %c0_i32 = arith.constant 0 : i32
    %c0_i32_0 = arith.constant 0 : i32
    %c0_i32_1 = arith.constant 0 : i32
    return %c0_i32, %c0_i32_0 : i32, i32
  }
  func.func @transform_2(%arg0: i32) -> (i32, i32) {
    %c0_i32 = arith.constant 0 : i32
    %c0_i32_0 = arith.constant 0 : i32
    %c0_i32_1 = arith.constant 0 : i32
    return %c0_i32, %c0_i32_0 : i32, i32
  }
  func.func @transform_3(%arg0: i32) -> (i32, i32) {
    %c0_i32 = arith.constant 0 : i32
    %c0_i32_0 = arith.constant 0 : i32
    return %arg0, %c0_i32 : i32, i32
  }
  func.func @transform_4(%arg0: i32) -> (i32, i32) {
    %c0_i32 = arith.constant 0 : i32
    %c0_i32_0 = arith.constant 0 : i32
    return %arg0, %c0_i32 : i32, i32
  }
  func.func @transform_5(%arg0: i32) -> (i32, i32) {
    %c0_i32 = arith.constant 0 : i32
    %c0_i32_0 = arith.constant 0 : i32
    return %arg0, %c0_i32 : i32, i32
  }
  func.func @transform_6(%arg0: i32) -> (i32, i32) {
    %c0_i32 = arith.constant 0 : i32
    %c0_i32_0 = arith.constant 0 : i32
    return %arg0, %c0_i32 : i32, i32
  }
  func.func @transform_7(%arg0: i32) -> (i32, i32) {
    %c0_i32 = arith.constant 0 : i32
    %c0_i32_0 = arith.constant 0 : i32
    %c0_i32_1 = arith.constant 0 : i32
    return %c0_i32, %c0_i32_0 : i32, i32
  }
  func.func @transform_8(%arg0: i32) -> (i32, i32) {
    %c0_i32 = arith.constant 0 : i32
    %c0_i32_0 = arith.constant 0 : i32
    %c0_i32_1 = arith.constant 0 : i32
    return %c0_i32, %c0_i32_0 : i32, i32
  }
  func.func @transform_9(%arg0: i32) -> (i32, i32) {
    %c0_i32 = arith.constant 0 : i32
    %c0_i32_0 = arith.constant 0 : i32
    %c0_i32_1 = arith.constant 0 : i32
    return %c0_i32, %c0_i32_0 : i32, i32
  }
  func.func @transform_10(%arg0: i32) -> (i32, i32) {
    %c0_i32 = arith.constant 0 : i32
    %c0_i32_0 = arith.constant 0 : i32
    %c0_i32_1 = arith.constant 0 : i32
    return %c0_i32, %c0_i32_0 : i32, i32
  }
}

</mosaic_0001>

<sc_bundles>
// kernel: kernel.6.cloned.1.call-start
scs
__scs_entry_jumppad:
0x0: {  	(pc) =	sbr.rel $0x88, $3  }
0x1: {  	(tag) =	ssettag $0x0;
	lr =	simm.s32 $0x1  }
0x2: {  	[smem:$0x3F96] =	sst lr;
	_ =	strace $0xD0000000  }
0x3: {  	_ = 	snop  }
0x4: {  	_ = 	snop  }
0x5: {  	_ = 	snop  }
0x6: {  	_ = 	snop  }
0x7: {  	_ = 	snop  }
__scs_overlays_trampoline_lowered:
0x8: {  	[smem:$0x3FA5] =	sst s0  }
0x9: {  	[smem:$0x3FA6] =	sst s1  }
0xa: {  	[smem:$0x3FA7] =	sst s2  }
0xb: {  	[smem:$0x3FA8] =	sst s3  }
0xc: {  	[smem:$0x3FA9] =	sst s4  }
0xd: {  	[smem:$0x3FAA] =	sst s5  }
0xe: {  	[smem:$0x3FAB] =	sst s6  }
0xf: {  	[smem:$0x3FAC] =	sst s7  }
0x10: {  	[smem:$0x3FAD] =	sst s8  }
0x11: {  	[smem:$0x3FAE] =	sst s9;
	s0 =	simm.s32 @!p0 $0x0  }
0x12: {  	s1 =	sld [smem:$0x3F94];
	s0 =	simm.s32 @p0 $0x1  }
0x13: {  	[smem:$0x3FAF] =	sst s0;
	s0 =	simm.s32 @!p1 $0x0  }
0x14: {  	s2 =	sld [smem:$0x3F93];
	s0 =	simm.s32 @p1 $0x1  }
0x15: {  	[smem:$0x3FB0] =	sst s0;
	s0 =	simm.s32 @!p2 $0x0  }
0x16: {  	s3 =	sld [smem:$0x3FDB];
	s0 =	simm.s32 @p2 $0x1  }
0x17: {  	s4 =	simm.s32 $0x1BF5;
	[smem:$0x3FB2] =	sst s0  }
0x18: {  	s0 =	sld [smem:$0x3F95];
	_ =	swait.ge [sflag:s4], $0x0  }
0x19: {  	s7 =	sld [smem:$0x3F96]  }
0x1a: {  	s8 =	sadd.s32 $0xFFFFE003, lr  }
0x1b: {  	s9 =	sadd.s32 $0xFFFFFEF7, lr;
	s5 =	simm.s32 $0xFFFFFFFF;
	p2 =	slt.u32 s8, $0xFFFFF086  }
0x1c: {  	p1 =	slt.u32 s9, $0xF7A;
	s5 =	simm.s32 @!p2 $0x0  }
0x1d: {  	s5 =	simm.s32 @p1 $0x1;
	p0 =	seq.s32 s7, s2  }
0x1e: {  	s7 =	smul.u32 @!p0 $0xF7A, s2;
	p2 =	seq.s32 @!p0 s5, $0x0  }
0x1f: {  	s9 =	smul.u32 $0xF7A, s1;
	s8 =	simm.s32 @!p0 $0x1BF5;
	p2 =	por !p2, p0  }
0x20: {  	[sflag:s8] =	ssyncset.s32 @!p0 $0xFFFFF086;
	s6 =	sadd.s32 @!p0 s3, s7;
	s7 =	simm.s32 @!p0 $0x108  }
0x21: {  	s3 =	sadd.s32 s3, s9;
	s6 =	sadd.s32 @!p0 $0x88, s6;
	s7 =	simm.s32 @p2 $0x1082  }
0x22: {  	[simem:s7], [sflag:s8] =	dma.local @!p0 [hbm:s6], $0xF7A  }
0x23: {  	s9 =	sor.u32 $0xD0000000, s2;
	s6 =	simm.s32 $0x108;
	_ =	swait.ge @!p0 [sflag:s8], $0x0  }
0x24: {  	s3 =	sadd.s32 $0x88, s3;
	s6 =	simm.s32 @!p1 $0x1082;
	[sflag:s4] =	ssyncset.s32 $0xFFFFF086  }
0x25: {  	[simem:s6], [sflag:s4] =	dma.local [hbm:s3], $0xF7A  }
0x26: {  	[smem:$0x3F96] =	sst s1;
	(tag) =	ssettag s2;
	_ =	strace s9  }
0x27: {  	s1 =	sld [smem:$0x3FA6]  }
0x28: {  	s2 =	sld [smem:$0x3FA7]  }
0x29: {  	s4 =	sld [smem:$0x3FA9]  }
0x2a: {  	p0 =	seq.s32 s5, $0x0;
	s5 =	sld [smem:$0x3FAA]  }
0x2b: {  	s6 =	sld [smem:$0x3FAB]  }
0x2c: {  	s7 =	sld [smem:$0x3FAC]  }
0x2d: {  	s3 =	simm.s32 $0x108;
	s8 =	sld [smem:$0x3FAD]  }
0x2e: {  	s3 =	simm.s32 @!p0 $0x1082;
	s9 =	sld [smem:$0x3FAE]  }
0x2f: {  	lr =	sadd.s32 s0, s3;
	s0 =	sld [smem:$0x3FA5]  }
0x30: {  	s3 =	sld [smem:$0x3FA8]  }
0x31: {  	[smem:$0x3FB1] =	sst s10  }
0x32: {  	s10 =	sld [smem:$0x3FAF];
	_ =	sdelay $0x3  }
0x33: {  	p0 =	seq.s32 s10, $0x1;
	s10 =	sld [smem:$0x3FB1];
	_ =	sdelay $0x3  }
0x34: {  	[smem:$0x3FB1] =	sst s10  }
0x35: {  	s10 =	sld [smem:$0x3FB0];
	_ =	sdelay $0x3  }
0x36: {  	p1 =	seq.s32 s10, $0x1;
	s10 =	sld [smem:$0x3FB1];
	_ =	sdelay $0x3  }
0x37: {  	[smem:$0x3FB1] =	sst s10  }
0x38: {  	s10 =	sld [smem:$0x3FB2]  }
0x39: {  	_ = 	snop;
	(pc) =	sbr.ind lr, $3  }
0x3a: {  	_ = 	snop  }
0x3b: {  	_ = 	snop  }
0x3c: {  	p2 =	seq.s32 s10, $0x1;
	s10 =	sld [smem:$0x3FB1]  }
0x3d: {  	_ =	shalt  }
0x3e: {  	_ =	shalt  }
0x3f: {  	_ =	shalt  }
0x40: {  	_ =	shalt  }
0x41: {  	_ =	shalt  }
0x42: {  	_ =	shalt  }
0x43: {  	_ =	shalt  }
0x44: {  	_ =	shalt  }
0x45: {  	_ =	shalt  }
0x46: {  	_ =	shalt  }
0x47: {  	_ =	shalt  }
0x48: {  	_ =	shalt  }
0x49: {  	_ =	shalt  }
0x4a: {  	_ =	shalt  }
0x4b: {  	_ =	shalt  }
0x4c: {  	_ =	shalt  }
0x4d: {  	_ =	shalt  }
0x4e: {  	_ =	shalt  }
0x4f: {  	_ =	shalt  }
0x50: {  	_ =	shalt  }
0x51: {  	_ =	shalt  }
0x52: {  	_ =	shalt  }
0x53: {  	_ =	shalt  }
0x54: {  	_ =	shalt  }
0x55: {  	_ =	shalt  }
0x56: {  	_ =	shalt  }
0x57: {  	_ =	shalt  }
0x58: {  	_ =	shalt  }
0x59: {  	_ =	shalt  }
0x5a: {  	_ =	shalt  }
0x5b: {  	_ =	shalt  }
0x5c: {  	_ =	shalt  }
0x5d: {  	_ =	shalt  }
0x5e: {  	_ =	shalt  }
0x5f: {  	_ =	shalt  }
0x60: {  	_ =	shalt  }
0x61: {  	_ =	shalt  }
0x62: {  	_ =	shalt  }
0x63: {  	_ =	shalt  }
0x64: {  	_ =	shalt  }
0x65: {  	_ =	shalt  }
0x66: {  	_ =	shalt  }
0x67: {  	_ =	shalt  }
0x68: {  	_ =	shalt  }
0x69: {  	_ =	shalt  }
0x6a: {  	_ =	shalt  }
0x6b: {  	_ =	shalt  }
0x6c: {  	_ =	shalt  }
0x6d: {  	_ =	shalt  }
0x6e: {  	_ =	shalt  }
0x6f: {  	_ =	shalt  }
0x70: {  	_ =	shalt  }
0x71: {  	_ =	shalt  }
0x72: {  	_ =	shalt  }
0x73: {  	_ =	shalt  }
0x74: {  	_ =	shalt  }
0x75: {  	_ =	shalt  }
0x76: {  	_ =	shalt  }
0x77: {  	_ =	shalt  }
0x78: {  	_ =	shalt  }
0x79: {  	_ =	shalt  }
0x7a: {  	_ =	shalt  }
0x7b: {  	_ =	shalt  }
0x7c: {  	_ =	shalt  }
0x7d: {  	_ =	shalt  }
0x7e: {  	_ =	shalt  }
0x7f: {  	_ =	shalt  }
0x80: {  	_ =	shalt  }
0x81: {  	_ =	shalt  }
0x82: {  	_ =	shalt  }
0x83: {  	_ =	shalt  }
0x84: {  	_ =	shalt  }
0x85: {  	_ =	shalt  }
0x86: {  	_ =	shalt  }
0x87: {  	_ =	shalt  }
.Lfunc_end0:
.L_simem_size_0:
called_computation_lowered:
.L_overlay_start_0:
0x88: {  	s2 =	sld [smem:$0x3FD9]  }
0x89: {  	s3 =	sld [smem:$0x3FFE];
	_ =	sdelay $0x1  }
0x8a: {  	s1 =	srdreg.scid  }
0x8b: {  	s0 =	sand.u32 $0x1, s1  }
0x8c: {  	s14 =	sshll.u32 s0, $0xA;
	s2 =	sadd.s32 s3, s2  }
0x8d: {  	s2 =	sadd.s32 s2, s14  }
0x8e: {  	[smem:$0x3FBD] =	sst s2  }
0x8f: {  	_ = 	snop  }
0x90: {  	s2 =	sld [smem:$0x3FD0];
	_ =	sdelay $0x2  }
0x91: {  	s4 =	simm.s32 $0xA;
	s5 =	simm.s32 $0x10;
	s15 =	sld [smem:$0x3FC9]  }
0x92: {  	[smem:s5], [sflag:s4] =	dma.local [hbm:s2], $0x1  }
0x93: {  	_ =	swait.eq [sflag:s4], $0x1  }
0x94: {  	[sflag:s4] =	ssyncset.done $0x0  }
0x95: {  	s16 =	sld [smem:$0x10];
	[sflag:s4] =	ssyncadd.s32 $0xFFFFFFFF  }
0x96: {  	s17 =	sld [smem:$0x11];
	(tm) =	ssettm $0x1  }
0x97: {  	s18 =	sld [smem:$0x3FFB];
	_ =	sdelay $0x3  }
0x98: {  	_ =	strace s18  }
0x99: {  	s5 =	sld [smem:$0x3FFC];
	_ =	sdelay $0x3  }
0x9a: {  	_ =	strace s5  }
0x9b: {  	s5 =	sld [smem:$0x3FFD];
	_ =	sdelay $0x3  }
0x9c: {  	_ =	strace s5  }
0x9d: {  	_ =	strace $0x8FFFFFFF  }
0x9e: {  	s19 =	sld [smem:$0x3FDB];
	_ =	sdelay $0x1  }
0x9f: {  	s6 =	simm.s32 $_scs_section_size  }
0xa0: {  	s7 =	simm.s32 $_size__tile_overlayer_lowered;
	s8 =	simm.s32 $_tile_overlayer_lowered  }
0xa1: {  	s22 =	simm.s32 $0x1BFF;
	s21 =	sshll.u32 s8, $0x1;
	s5 =	sadd.s32 s6, s19  }
0xa2: {  	s9 =	simm.s32 $0x0;
	s20 =	sshll.u32 s7, $0x1;
	s7 =	sadd.s32 s21, s5  }
0xa3: {  	[timem:s9], [sflag:s22] =	dma.local [hbm:s7], s20  }
0xa4: {  	_ =	swait.ge [sflag:s22], s20  }
0xa5: {  	s6 =	ssub.s32 $0x0, s20;
	[sflag:s22] =	ssyncset.done $0x0  }
0xa6: {  	[sflag:s22] =	ssyncadd.s32 s6;
	_ =	sdelay $0x1  }
0xa7: {  	s23 =	simm.s32 $0x1B8B  }
0xa8: {  	_ =	swait.ge [sflag:s23], $0x1  }
0xa9: {  	[sflag:s23] =	ssyncset.done $0x0  }
0xaa: {  	s25 =	simm.s32 $0x1B8E;
	s24 =	sld [smem:$0x3FFE];
	[sflag:s23] =	ssyncadd.s32 $0xFFFFFFFF  }
0xab: {  	s26 =	simm.s32 $execute0_lowered;
	[smem:$0x3FD2] =	sst s25  }
0xac: {  	s7 =	sshll.u32 s26, $0x1;
	_ =	strace $0x80000046;
	[dreg:$0x1] =	wrdreg $0xFFFFFFFF  }
0xad: {  	s28 =	simm.s32 $_size_execute0_lowered;
	s5 =	sadd.s32 s5, s7;
	[dreg:$0x0] =	wrdreg $0x0  }
0xae: {  	s7 =	sshll.u32 s28, $0x1;
	[dreg:$0x2] =	wrdreg s5  }
0xaf: {  	[dreg:$0x3] =	wrdreg s7  }
0xb0: {  	[dreg:$0x4] =	wrdreg $0xC0  }
0xb1: {  	_ =	task [dreg:s9], $0x5FFFF  }
0xb2: {  	[dreg:$0x1] =	wrdreg $0xFFFFFFFF  }
0xb3: {  	[dreg:$0x0] =	wrdreg $0x60  }
0xb4: {  	[dreg:$0x2] =	wrdreg s15  }
0xb5: {  	[dreg:$0x3] =	wrdreg s17  }
0xb6: {  	[dreg:$0x4] =	wrdreg s16  }
0xb7: {  	[dreg:$0x5] =	wrdreg s24  }
0xb8: {  	[dreg:$0x6] =	wrdreg $0x9  }
0xb9: {  	_ =	task.clear_ibuf [dreg:s9], $0x7FFFF;
	_ =	strace $0x90000046  }
0xba: {  	s29 =	simm.s32 $0x9;
	_ =	strace $0x80000048  }
0xbb: {  	_ =	swait.ge [sflag:s29], $0x1  }
0xbc: {  	[sflag:s29] =	ssyncadd.s32 $0xFFFFFFFF  }
0xbd: {  	_ =	strace $0x90000048  }
0xbe: {  	_ =	sfence  }
0xbf: {  	s30 =	sld [smem:$0x0];
	_ =	sdelay $0x2  }
0xc0: {  	s31 =	sshll.u32 s1, $0xD;
	s1 =	sshrl.u32 s1, $0x2  }
0xc1: {  	s3 =	sand.u32 $0x4000, s31;
	s1 =	sadd.s32 s1, s30  }
0xc2: {  	s0 =	sor.u32 s3, s0;
	s1 =	sshll.u32 s1, $0x11  }
0xc3: {  	s0 =	sor.u32 s1, s0  }
0xc4: {  	s0 =	sadd.s32 $0x8F2B, s0  }
0xc5: {  	[sflag:s0] =	ssyncadd.remote.s32 $0x1  }
0xc6: {  	_ =	sfence.sel $0xFFFF  }
0xc7: {  	[dreg:$0x0] =	wrdreg $0xFFFFFFFF;
	(pc) =	sbr.abs _section_cstart, $3  }
0xc8: {  	[dreg:$0x1] =	wrdreg $0xFFFFFFFF  }
0xc9: {  	_ =	task.clear_ibuf [dreg:s9], $0x2FFFF;
	_ =	strace $0x9FFFFFFF  }
0xca: {  	(tm) =	ssettm $0x7FFFFFFF  }
0xcb: {  	_ =	shalt  }
tec
execute0_lowered:
.L_overlay_start_1:
0x0: {  	(tag) =	ssettag $0x1  }
0x1: {  	s0 =	rddreg [dreg:$0x0]  }
0x2: {  	s1 =	rddreg [dreg:$0x1]  }
0x3: {  	s4 =	rddreg [dreg:$0x2]  }
0x4: {  	s6 =	rddreg [dreg:$0x3]  }
0x5: {  	s2 =	srdreg.scid;
	s3 =	stileid.u32  }
0x6: {  	s26 =	simm.s32 $0x80;
	s21 =	simm.s32 $0x1900;
	s28 =	simm.s32 $0x4900  }
0x7: {  	s29 =	simm.s32 $0x5100;
	s30 =	simm.s32 $0x5900;
	s31 =	simm.s32 $0x6100  }
0x8: {  	s10 =	simm.s32 $0x7900;
	s11 =	simm.s32 $0x8100;
	s12 =	simm.s32 $0x8900  }
0x9: {  	s13 =	simm.s32 $0x9100;
	s14 =	simm.s32 $0x9900;
	s15 =	simm.s32 $0xA100  }
0xa: {  	s16 =	simm.s32 $0xA900;
	s17 =	simm.s32 $0xB100;
	s9 =	simm.s32 $0xB900  }
0xb: {  	s5 =	sand.u32 $0x1, s2;
	s2 =	simm.s32 $0x0;
	s3 =	sshll.u32 s3, $0x7  }
0xc: {  	s7 =	sshll.u32 s5, $0x6;
	[smem:$0x7FF] =	sst s2;
	s5 =	ssub.s32 $0x2, s5  }
0xd: {  	s7 =	sor.u32 s7, s3;
	_ =	strace $0x80000047;
	s3 =	sadd.s32 $0x11200, s6  }
0xe: {  	s24 =	sshrl.u32 s5, $0x1;
	[dreg:$0x8] =	wrdreg s26;
	s26 =	simm.s32 $0x4100  }
0xf: {  	s8 =	sshrl.u32 s7, $0x3;
	s23 =	sshll.u32 s7, $0x7;
	s25 =	ssub.s32 s5, s24  }
0x10: {  	s5 =	sadd.s32 $0x11400, s6;
	s24 =	simm.s32 $0x3100;
	s1 =	sadd.s32 s1, s8  }
0x11: {  	s22 =	sadd.s32 s4, s8;
	s0 =	sadd.s32 s0, s23;
	s4 =	sadd.s32 $0x11300, s6  }
0x12: {  	v2 =	vlaneseq.u32;
	s6 =	sadd.s32 $0x11500, s6;
	s7 =	smax.u32 s25, $0x1;
	[dreg:$0x5] =	wrdreg s1  }
0x13: {  	vm0 =	vmmov $0xffff;
	v1 =	vshrl.u32 v2, $0x3;
	s8 =	simm.s32 $0x2;
	s23 =	simm.s32 $0x2900;
	[dreg:$0x6] =	wrdreg s22  }
0x14: {  	v0 =	vand.u32 $0x7, v2;
	v2 =	vor.u32 $0x8, v2;
	v1 =	vmul.u32 $0x8, v1;
	s25 =	simm.s32 $0x3900;
	[dreg:$0x7] =	wrdreg s0;
	s22 =	simm.s32 $0x2100  }
.LBB2_1:
0x15: {  	s19 =	rddreg [dreg:$0x5]  }
0x16: {  	[tilespmem:s2], [sflag:$0x2] =	stream.linear.gather [hbm4b:s19+s2], $0x40, $0x38;
	[tilespmem:$0x10100] =	vst v63  }
0x17: {  	_ =	swait.ge [sflag:s8], $0x40  }
0x18: {  	s0 =	rddreg [dreg:$0x6];
	[sflag:s8] =	ssyncset.done $0x0  }
0x19: {  	s20 =	rddreg [dreg:$0x8];
	[sflag:s8] =	ssyncadd.s32 $0xFFFFFFC0  }
0x1a: {  	[tilespmem:s20], [sflag:$0x2] =	stream.linear.gather [hbm4b:s0+s2], $0x40, $0x38;
	[tilespmem:$0x10100] =	vst v63  }
0x1b: {  	_ =	swait.ge [sflag:s8], $0x40  }
0x1c: {  	[sflag:s8] =	ssyncset.done $0x0  }
0x1d: {  	s18 =	simm.s32 $0x100;
	s1 =	rddreg [dreg:$0x7];
	[sflag:s8] =	ssyncadd.s32 $0xFFFFFFC0  }
0x1e: {  	[tilespmem:s18], [sflag:$0x2] =	stream.linear.gather [hbm4b:s1+s2], $0x10000, $0x38;
	[tilespmem:$0x10100] =	vst v63  }
0x1f: {  	_ =	swait.ge [sflag:s8], $0x10000  }
0x20: {  	[sflag:s8] =	ssyncset.done $0x0  }
0x21: {  	[sflag:s8] =	ssyncadd.s32 $0xFFFF0000  }
0x22: {  	v3 =	vld [tilespmem:$0x0];
	_ =	sdelay $0x4  }
0x23: {  	v4 =	vshll.u32 v3, $0x3  }
0x24: {  	v3 =	vand.u32 $0x7, v3;
	v4 =	vand.u32 $0xFFFFFFC0, v4  }
0x25: {  	v3 =	vor.u32 v3, v4  }
0x26: {  	v4 =	vperm.xlane v3, v0;
	_ =	sdelay $0x1  }
0x27: {  	v4 =	vadd.s32 v1, v4;
	_ =	sdelay $0x4  }
0x28: {  	[hbm4b:s3+s2] =	stream.indirect_vreg.scatter [tilespmem:s18], [sflag:$0x1], $0x80, v4, vm0, $0xb8;
	[tilespmem:$0x10100] =	vst v63  }
0x29: {  	s19 =	simm.s32 $0x900;
	v3 =	vperm.xlane v3, v2  }
0x2a: {  	[hbm4b:s4+s2] =	stream.indirect_vreg.scatter [tilespmem:s19], [sflag:$0x1], $0x80, v4, vm0, $0xb8;
	[tilespmem:$0x10100] =	vst v63  }
0x2b: {  	s20 =	simm.s32 $0x1100;
	v3 =	vadd.s32 v1, v3  }
0x2c: {  	[hbm4b:s5+s2] =	stream.indirect_vreg.scatter [tilespmem:s20], [sflag:$0x1], $0x80, v4, vm0, $0xb8;
	[tilespmem:$0x10100] =	vst v63  }
0x2d: {  	_ = 	snop  }
0x2e: {  	[hbm4b:s6+s2] =	stream.indirect_vreg.scatter [tilespmem:s21], [sflag:$0x1], $0x80, v4, vm0, $0xb8;
	[tilespmem:$0x10100] =	vst v63  }
0x2f: {  	_ = 	snop  }
0x30: {  	[hbm4b:s3+s2] =	stream.indirect_vreg.scatter [tilespmem:s22], [sflag:$0x1], $0x80, v3, vm0, $0xb8;
	[tilespmem:$0x10100] =	vst v63  }
0x31: {  	_ = 	snop  }
0x32: {  	[hbm4b:s4+s2] =	stream.indirect_vreg.scatter [tilespmem:s23], [sflag:$0x1], $0x80, v3, vm0, $0xb8;
	[tilespmem:$0x10100] =	vst v63  }
0x33: {  	_ = 	snop  }
0x34: {  	[hbm4b:s5+s2] =	stream.indirect_vreg.scatter [tilespmem:s24], [sflag:$0x1], $0x80, v3, vm0, $0xb8;
	[tilespmem:$0x10100] =	vst v63  }
0x35: {  	_ = 	snop  }
0x36: {  	[hbm4b:s6+s2] =	stream.indirect_vreg.scatter [tilespmem:s25], [sflag:$0x1], $0x80, v3, vm0, $0xb8;
	[tilespmem:$0x10100] =	vst v63  }
0x37: {  	v3 =	vld [tilespmem:$0x10];
	_ =	sdelay $0x4  }
0x38: {  	v57 =	vshll.u32 v3, $0x3  }
0x39: {  	v3 =	vand.u32 $0x7, v3;
	v4 =	vand.u32 $0xFFFFFFC0, v57  }
0x3a: {  	v3 =	vor.u32 v3, v4  }
0x3b: {  	v4 =	vperm.xlane v3, v0;
	_ =	sdelay $0x1  }
0x3c: {  	v4 =	vadd.s32 v1, v4;
	_ =	sdelay $0x4  }
0x3d: {  	[hbm4b:s3+s2] =	stream.indirect_vreg.scatter [tilespmem:s26], [sflag:$0x1], $0x80, v4, vm0, $0xb8;
	[tilespmem:$0x10100] =	vst v63  }
0x3e: {  	v3 =	vperm.xlane v3, v2  }
0x3f: {  	[hbm4b:s4+s2] =	stream.indirect_vreg.scatter [tilespmem:s28], [sflag:$0x1], $0x80, v4, vm0, $0xb8;
	[tilespmem:$0x10100] =	vst v63  }
0x40: {  	v3 =	vadd.s32 v1, v3  }
0x41: {  	[hbm4b:s5+s2] =	stream.indirect_vreg.scatter [tilespmem:s29], [sflag:$0x1], $0x80, v4, vm0, $0xb8;
	[tilespmem:$0x10100] =	vst v63  }
0x42: {  	_ = 	snop  }
0x43: {  	[hbm4b:s6+s2] =	stream.indirect_vreg.scatter [tilespmem:s30], [sflag:$0x1], $0x80, v4, vm0, $0xb8;
	[tilespmem:$0x10100] =	vst v63  }
0x44: {  	_ = 	snop  }
0x45: {  	[hbm4b:s3+s2] =	stream.indirect_vreg.scatter [tilespmem:s31], [sflag:$0x1], $0x80, v3, vm0, $0xb8;
	[tilespmem:$0x10100] =	vst v63  }
0x46: {  	s0 =	simm.s32 $0x6900  }
0x47: {  	[hbm4b:s4+s2] =	stream.indirect_vreg.scatter [tilespmem:s0], [sflag:$0x1], $0x80, v3, vm0, $0xb8;
	[tilespmem:$0x10100] =	vst v63  }
0x48: {  	s1 =	simm.s32 $0x7100  }
0x49: {  	[hbm4b:s5+s2] =	stream.indirect_vreg.scatter [tilespmem:s1], [sflag:$0x1], $0x80, v3, vm0, $0xb8;
	[tilespmem:$0x10100] =	vst v63  }
0x4a: {  	_ = 	snop  }
0x4b: {  	[hbm4b:s6+s2] =	stream.indirect_vreg.scatter [tilespmem:s10], [sflag:$0x1], $0x80, v3, vm0, $0xb8;
	[tilespmem:$0x10100] =	vst v63  }
0x4c: {  	v3 =	vld [tilespmem:$0x20];
	_ =	sdelay $0x4  }
0x4d: {  	v58 =	vshll.u32 v3, $0x3  }
0x4e: {  	v3 =	vand.u32 $0x7, v3;
	v4 =	vand.u32 $0xFFFFFFC0, v58  }
0x4f: {  	v3 =	vor.u32 v3, v4  }
0x50: {  	v4 =	vperm.xlane v3, v0;
	_ =	sdelay $0x1  }
0x51: {  	v4 =	vadd.s32 v1, v4;
	_ =	sdelay $0x4  }
0x52: {  	[hbm4b:s3+s2] =	stream.indirect_vreg.scatter [tilespmem:s11], [sflag:$0x1], $0x80, v4, vm0, $0xb8;
	[tilespmem:$0x10100] =	vst v63  }
0x53: {  	v3 =	vperm.xlane v3, v2  }
0x54: {  	[hbm4b:s4+s2] =	stream.indirect_vreg.scatter [tilespmem:s12], [sflag:$0x1], $0x80, v4, vm0, $0xb8;
	[tilespmem:$0x10100] =	vst v63  }
0x55: {  	v3 =	vadd.s32 v1, v3  }
0x56: {  	[hbm4b:s5+s2] =	stream.indirect_vreg.scatter [tilespmem:s13], [sflag:$0x1], $0x80, v4, vm0, $0xb8;
	[tilespmem:$0x10100] =	vst v63  }
0x57: {  	_ = 	snop  }
0x58: {  	[hbm4b:s6+s2] =	stream.indirect_vreg.scatter [tilespmem:s14], [sflag:$0x1], $0x80, v4, vm0, $0xb8;
	[tilespmem:$0x10100] =	vst v63  }
0x59: {  	_ = 	snop  }
0x5a: {  	[hbm4b:s3+s2] =	stream.indirect_vreg.scatter [tilespmem:s15], [sflag:$0x1], $0x80, v3, vm0, $0xb8;
	[tilespmem:$0x10100] =	vst v63  }
0x5b: {  	_ = 	snop  }
0x5c: {  	[hbm4b:s4+s2] =	stream.indirect_vreg.scatter [tilespmem:s16], [sflag:$0x1], $0x80, v3, vm0, $0xb8;
	[tilespmem:$0x10100] =	vst v63  }
0x5d: {  	_ = 	snop  }
0x5e: {  	[hbm4b:s5+s2] =	stream.indirect_vreg.scatter [tilespmem:s17], [sflag:$0x1], $0x80, v3, vm0, $0xb8;
	[tilespmem:$0x10100] =	vst v63  }
0x5f: {  	_ = 	snop  }
0x60: {  	[hbm4b:s6+s2] =	stream.indirect_vreg.scatter [tilespmem:s9], [sflag:$0x1], $0x80, v3, vm0, $0xb8;
	[tilespmem:$0x10100] =	vst v63  }
0x61: {  	v3 =	vld [tilespmem:$0x30];
	_ =	sdelay $0x4  }
0x62: {  	v59 =	vshll.u32 v3, $0x3  }
0x63: {  	v3 =	vand.u32 $0x7, v3;
	v4 =	vand.u32 $0xFFFFFFC0, v59  }
0x64: {  	v3 =	vor.u32 v3, v4  }
0x65: {  	v4 =	vperm.xlane v3, v0;
	_ =	sdelay $0x1  }
0x66: {  	v4 =	vadd.s32 v1, v4;
	_ =	sdelay $0x3  }
0x67: {  	s0 =	simm.s32 $0xC100  }
0x68: {  	[hbm4b:s3+s2] =	stream.indirect_vreg.scatter [tilespmem:s0], [sflag:$0x1], $0x80, v4, vm0, $0xb8;
	[tilespmem:$0x10100] =	vst v63  }
0x69: {  	v3 =	vperm.xlane v3, v2;
	s0 =	simm.s32 $0xC900  }
0x6a: {  	[hbm4b:s4+s2] =	stream.indirect_vreg.scatter [tilespmem:s0], [sflag:$0x1], $0x80, v4, vm0, $0xb8;
	[tilespmem:$0x10100] =	vst v63  }
0x6b: {  	v3 =	vadd.s32 v1, v3;
	s0 =	simm.s32 $0xD100  }
0x6c: {  	[hbm4b:s5+s2] =	stream.indirect_vreg.scatter [tilespmem:s0], [sflag:$0x1], $0x80, v4, vm0, $0xb8;
	[tilespmem:$0x10100] =	vst v63  }
0x6d: {  	s0 =	simm.s32 $0xD900  }
0x6e: {  	[hbm4b:s6+s2] =	stream.indirect_vreg.scatter [tilespmem:s0], [sflag:$0x1], $0x80, v4, vm0, $0xb8;
	[tilespmem:$0x10100] =	vst v63  }
0x6f: {  	s0 =	simm.s32 $0xE100  }
0x70: {  	[hbm4b:s3+s2] =	stream.indirect_vreg.scatter [tilespmem:s0], [sflag:$0x1], $0x80, v3, vm0, $0xb8;
	[tilespmem:$0x10100] =	vst v63  }
0x71: {  	s0 =	simm.s32 $0xE900  }
0x72: {  	[hbm4b:s4+s2] =	stream.indirect_vreg.scatter [tilespmem:s0], [sflag:$0x1], $0x80, v3, vm0, $0xb8;
	[tilespmem:$0x10100] =	vst v63  }
0x73: {  	s0 =	simm.s32 $0xF100  }
0x74: {  	[hbm4b:s5+s2] =	stream.indirect_vreg.scatter [tilespmem:s0], [sflag:$0x1], $0x80, v3, vm0, $0xb8;
	[tilespmem:$0x10100] =	vst v63  }
0x75: {  	s0 =	simm.s32 $0xF900  }
0x76: {  	[hbm4b:s6+s2] =	stream.indirect_vreg.scatter [tilespmem:s0], [sflag:$0x1], $0x80, v3, vm0, $0xb8;
	[tilespmem:$0x10100] =	vst v63  }
0x77: {  	v3 =	vld [tilespmem:$0x80];
	_ =	sdelay $0x4  }
0x78: {  	v60 =	vshll.u32 v3, $0x3  }
0x79: {  	v3 =	vand.u32 $0x7, v3;
	v4 =	vand.u32 $0xFFFFFFC0, v60  }
0x7a: {  	v3 =	vor.u32 v3, v4  }
0x7b: {  	v4 =	vperm.xlane v3, v0;
	_ =	sdelay $0x1  }
0x7c: {  	v4 =	vadd.s32 v1, v4;
	_ =	sdelay $0x4  }
0x7d: {  	[hbm4b:s3+s2] =	stream.indirect_vreg.scatter [tilespmem:s18], [sflag:$0x1], $0x80, v4, vm0, $0xb8;
	[tilespmem:$0x10100] =	vst v63  }
0x7e: {  	v3 =	vperm.xlane v3, v2  }
0x7f: {  	[hbm4b:s4+s2] =	stream.indirect_vreg.scatter [tilespmem:s19], [sflag:$0x1], $0x80, v4, vm0, $0xb8;
	[tilespmem:$0x10100] =	vst v63  }
0x80: {  	v3 =	vadd.s32 v1, v3  }
0x81: {  	[hbm4b:s5+s2] =	stream.indirect_vreg.scatter [tilespmem:s20], [sflag:$0x1], $0x80, v4, vm0, $0xb8;
	[tilespmem:$0x10100] =	vst v63  }
0x82: {  	_ = 	snop  }
0x83: {  	[hbm4b:s6+s2] =	stream.indirect_vreg.scatter [tilespmem:s21], [sflag:$0x1], $0x80, v4, vm0, $0xb8;
	[tilespmem:$0x10100] =	vst v63  }
0x84: {  	_ = 	snop  }
0x85: {  	[hbm4b:s3+s2] =	stream.indirect_vreg.scatter [tilespmem:s22], [sflag:$0x1], $0x80, v3, vm0, $0xb8;
	[tilespmem:$0x10100] =	vst v63  }
0x86: {  	_ = 	snop  }
0x87: {  	[hbm4b:s4+s2] =	stream.indirect_vreg.scatter [tilespmem:s23], [sflag:$0x1], $0x80, v3, vm0, $0xb8;
	[tilespmem:$0x10100] =	vst v63  }
0x88: {  	_ = 	snop  }
0x89: {  	[hbm4b:s5+s2] =	stream.indirect_vreg.scatter [tilespmem:s24], [sflag:$0x1], $0x80, v3, vm0, $0xb8;
	[tilespmem:$0x10100] =	vst v63  }
0x8a: {  	_ = 	snop  }
0x8b: {  	[hbm4b:s6+s2] =	stream.indirect_vreg.scatter [tilespmem:s25], [sflag:$0x1], $0x80, v3, vm0, $0xb8;
	[tilespmem:$0x10100] =	vst v63  }
0x8c: {  	v3 =	vld [tilespmem:$0x90];
	_ =	sdelay $0x4  }
0x8d: {  	v61 =	vshll.u32 v3, $0x3  }
0x8e: {  	v3 =	vand.u32 $0x7, v3;
	v4 =	vand.u32 $0xFFFFFFC0, v61  }
0x8f: {  	v3 =	vor.u32 v3, v4  }
0x90: {  	v4 =	vperm.xlane v3, v0;
	_ =	sdelay $0x1  }
0x91: {  	v4 =	vadd.s32 v1, v4;
	_ =	sdelay $0x4  }
0x92: {  	[hbm4b:s3+s2] =	stream.indirect_vreg.scatter [tilespmem:s26], [sflag:$0x1], $0x80, v4, vm0, $0xb8;
	[tilespmem:$0x10100] =	vst v63  }
0x93: {  	v3 =	vperm.xlane v3, v2  }
0x94: {  	[hbm4b:s4+s2] =	stream.indirect_vreg.scatter [tilespmem:s28], [sflag:$0x1], $0x80, v4, vm0, $0xb8;
	[tilespmem:$0x10100] =	vst v63  }
0x95: {  	v3 =	vadd.s32 v1, v3  }
0x96: {  	[hbm4b:s5+s2] =	stream.indirect_vreg.scatter [tilespmem:s29], [sflag:$0x1], $0x80, v4, vm0, $0xb8;
	[tilespmem:$0x10100] =	vst v63  }
0x97: {  	_ = 	snop  }
0x98: {  	[hbm4b:s6+s2] =	stream.indirect_vreg.scatter [tilespmem:s30], [sflag:$0x1], $0x80, v4, vm0, $0xb8;
	[tilespmem:$0x10100] =	vst v63  }
0x99: {  	_ = 	snop  }
0x9a: {  	[hbm4b:s3+s2] =	stream.indirect_vreg.scatter [tilespmem:s31], [sflag:$0x1], $0x80, v3, vm0, $0xb8;
	[tilespmem:$0x10100] =	vst v63  }
0x9b: {  	s20 =	simm.s32 $0x6900  }
0x9c: {  	[hbm4b:s4+s2] =	stream.indirect_vreg.scatter [tilespmem:s20], [sflag:$0x1], $0x80, v3, vm0, $0xb8;
	[tilespmem:$0x10100] =	vst v63  }
0x9d: {  	_ = 	snop  }
0x9e: {  	[hbm4b:s5+s2] =	stream.indirect_vreg.scatter [tilespmem:s1], [sflag:$0x1], $0x80, v3, vm0, $0xb8;
	[tilespmem:$0x10100] =	vst v63  }
0x9f: {  	_ = 	snop  }
0xa0: {  	[hbm4b:s6+s2] =	stream.indirect_vreg.scatter [tilespmem:s10], [sflag:$0x1], $0x80, v3, vm0, $0xb8;
	[tilespmem:$0x10100] =	vst v63  }
0xa1: {  	v3 =	vld [tilespmem:$0xA0];
	_ =	sdelay $0x4  }
0xa2: {  	v62 =	vshll.u32 v3, $0x3  }
0xa3: {  	v3 =	vand.u32 $0x7, v3;
	v4 =	vand.u32 $0xFFFFFFC0, v62  }
0xa4: {  	v3 =	vor.u32 v3, v4  }
0xa5: {  	v4 =	vperm.xlane v3, v0;
	_ =	sdelay $0x1  }
0xa6: {  	v4 =	vadd.s32 v1, v4;
	_ =	sdelay $0x4  }
0xa7: {  	[hbm4b:s3+s2] =	stream.indirect_vreg.scatter [tilespmem:s11], [sflag:$0x1], $0x80, v4, vm0, $0xb8;
	[tilespmem:$0x10100] =	vst v63  }
0xa8: {  	v3 =	vperm.xlane v3, v2  }
0xa9: {  	[hbm4b:s4+s2] =	stream.indirect_vreg.scatter [tilespmem:s12], [sflag:$0x1], $0x80, v4, vm0, $0xb8;
	[tilespmem:$0x10100] =	vst v63  }
0xaa: {  	v3 =	vadd.s32 v1, v3  }
0xab: {  	[hbm4b:s5+s2] =	stream.indirect_vreg.scatter [tilespmem:s13], [sflag:$0x1], $0x80, v4, vm0, $0xb8;
	[tilespmem:$0x10100] =	vst v63  }
0xac: {  	_ = 	snop  }
0xad: {  	[hbm4b:s6+s2] =	stream.indirect_vreg.scatter [tilespmem:s14], [sflag:$0x1], $0x80, v4, vm0, $0xb8;
	[tilespmem:$0x10100] =	vst v63  }
0xae: {  	_ = 	snop  }
0xaf: {  	[hbm4b:s3+s2] =	stream.indirect_vreg.scatter [tilespmem:s15], [sflag:$0x1], $0x80, v3, vm0, $0xb8;
	[tilespmem:$0x10100] =	vst v63  }
0xb0: {  	_ = 	snop  }
0xb1: {  	[hbm4b:s4+s2] =	stream.indirect_vreg.scatter [tilespmem:s16], [sflag:$0x1], $0x80, v3, vm0, $0xb8;
	[tilespmem:$0x10100] =	vst v63  }
0xb2: {  	_ = 	snop  }
0xb3: {  	[hbm4b:s5+s2] =	stream.indirect_vreg.scatter [tilespmem:s17], [sflag:$0x1], $0x80, v3, vm0, $0xb8;
	[tilespmem:$0x10100] =	vst v63  }
0xb4: {  	_ = 	snop  }
0xb5: {  	[hbm4b:s6+s2] =	stream.indirect_vreg.scatter [tilespmem:s9], [sflag:$0x1], $0x80, v3, vm0, $0xb8;
	[tilespmem:$0x10100] =	vst v63  }
0xb6: {  	v3 =	vld [tilespmem:$0xB0];
	_ =	sdelay $0x4  }
0xb7: {  	v63 =	vshll.u32 v3, $0x3  }
0xb8: {  	v3 =	vand.u32 $0x7, v3;
	v4 =	vand.u32 $0xFFFFFFC0, v63  }
0xb9: {  	v3 =	vor.u32 v3, v4  }
0xba: {  	v4 =	vperm.xlane v3, v0;
	_ =	sdelay $0x1  }
0xbb: {  	v4 =	vadd.s32 v1, v4;
	_ =	sdelay $0x3  }
0xbc: {  	s19 =	simm.s32 $0xC100  }
0xbd: {  	[hbm4b:s3+s2] =	stream.indirect_vreg.scatter [tilespmem:s19], [sflag:$0x1], $0x80, v4, vm0, $0xb8;
	[tilespmem:$0x10100] =	vst v63  }
0xbe: {  	s20 =	simm.s32 $0xC900;
	v3 =	vperm.xlane v3, v2  }
0xbf: {  	[hbm4b:s4+s2] =	stream.indirect_vreg.scatter [tilespmem:s20], [sflag:$0x1], $0x80, v4, vm0, $0xb8;
	[tilespmem:$0x10100] =	vst v63  }
0xc0: {  	s18 =	simm.s32 $0xD100;
	v3 =	vadd.s32 v1, v3  }
0xc1: {  	[hbm4b:s5+s2] =	stream.indirect_vreg.scatter [tilespmem:s18], [sflag:$0x1], $0x80, v4, vm0, $0xb8;
	[tilespmem:$0x10100] =	vst v63  }
0xc2: {  	s19 =	simm.s32 $0xD900  }
0xc3: {  	[hbm4b:s6+s2] =	stream.indirect_vreg.scatter [tilespmem:s19], [sflag:$0x1], $0x80, v4, vm0, $0xb8;
	[tilespmem:$0x10100] =	vst v63  }
0xc4: {  	s20 =	simm.s32 $0xE100  }
0xc5: {  	[hbm4b:s3+s2] =	stream.indirect_vreg.scatter [tilespmem:s20], [sflag:$0x1], $0x80, v3, vm0, $0xb8;
	[tilespmem:$0x10100] =	vst v63  }
0xc6: {  	s18 =	simm.s32 $0xE900  }
0xc7: {  	[hbm4b:s4+s2] =	stream.indirect_vreg.scatter [tilespmem:s18], [sflag:$0x1], $0x80, v3, vm0, $0xb8;
	[tilespmem:$0x10100] =	vst v63  }
0xc8: {  	s19 =	simm.s32 $0xF100  }
0xc9: {  	[hbm4b:s5+s2] =	stream.indirect_vreg.scatter [tilespmem:s19], [sflag:$0x1], $0x80, v3, vm0, $0xb8;
	[tilespmem:$0x10100] =	vst v63  }
0xca: {  	s20 =	simm.s32 $0x1  }
0xcb: {  	[hbm4b:s6+s2] =	stream.indirect_vreg.scatter [tilespmem:s0], [sflag:$0x1], $0x80, v3, vm0, $0xb8;
	[tilespmem:$0x10100] =	vst v63  }
0xcc: {  	p0 =	sne.s32 s7, $0x1;
	_ =	swait.ge [sflag:s20], $0x10000  }
.Ltmp0:
0xcd: {  	[sflag:s20] =	ssyncset.done $0x0;
	(pc) =	sbr.rel @p0 .LBB2_1-.Ltmp0, $4  }
0xce: {  	[sflag:s20] =	ssyncadd.s32 $0xFFFF0000  }
0xcf: {  	_ =	swait.ge [sflag:s20], $0x10000  }
0xd0: {  	[sflag:s20] =	ssyncset.done $0x0  }
0xd1: {  	s7 =	sadd.s32 $0xFFFFFFFF, s7;
	[sflag:s20] =	ssyncadd.s32 $0xFFFF0000  }
0xd2: {  	_ =	sfence.sel $0x180000  }
0xd3: {  	[bflag:$0x0] =	sbarrier.arrive $0xFFFF  }
0xd4: {  	_ =	strace $0x90000047  }
0xd5: {  	s0 =	stileid.u32;
	[bflag:$0x2] =	sbarrier.arrive $0xFFFF  }
0xd6: {  	p0 =	sne.s32 s0, $0x0;
	s0 =	rddreg [dreg:$0x4]  }
0xd7: {  	s0 =	sadd.s32 @!p0 $0x100000, s0  }
0xd8: {  	[sflag:s0] =	ssyncadd.tile.s32 @!p0 $0x1;
	_ =	shalt  }
.Lfunc_end2:
_tile_overlayer_lowered:
.L_overlay_start_2:
0xd9: {  	(tag) =	ssettag $0x2  }
0xda: {  	s0 =	rddreg [dreg:$0x0];
	s2 =	stileid.u32  }
0xdb: {  	s1 =	rddreg [dreg:$0x1];
	p0 =	sne.s32 s2, $0x0  }
0xdc: {  	s3 =	rddreg [dreg:$0x2];
	[bflag:$0x3] =	sbarrier.arrive $0xFFFF;
	s2 =	simm.s32 @!p0 $0x1C02  }
0xdd: {  	[timem:s3], [sflag:s2] =	dma.local @!p0 [hbm:s0], s1  }
0xde: {  	s0 =	simm.s32 @!p0 $0x2  }
0xdf: {  	_ =	swait.ge @!p0 [sflag:s0], s1  }
0xe0: {  	s1 =	ssub.s32 @!p0 $0x0, s1;
	[sflag:s0] =	ssyncset.done @!p0 $0x0  }
0xe1: {  	[sflag:s0] =	ssyncadd.s32 @!p0 s1  }
0xe2: {  	[bflag:$0x3] =	sbarrier.arrive $0xFFFF  }
0xe3: {  	_ =	shalt  }

// kernel: kernel.9.cloned.1.call-start
scs
__scs_entry_jumppad:
0x0: {  	(pc) =	sbr.rel $0x88, $3  }
0x1: {  	(tag) =	ssettag $0x0;
	lr =	simm.s32 $0x1  }
0x2: {  	[smem:$0x3F96] =	sst lr;
	_ =	strace $0xD0000000  }
0x3: {  	_ = 	snop  }
0x4: {  	_ = 	snop  }
0x5: {  	_ = 	snop  }
0x6: {  	_ = 	snop  }
0x7: {  	_ = 	snop  }
__scs_overlays_trampoline_lowered:
0x8: {  	[smem:$0x3FA5] =	sst s0  }
0x9: {  	[smem:$0x3FA6] =	sst s1  }
0xa: {  	[smem:$0x3FA7] =	sst s2  }
0xb: {  	[smem:$0x3FA8] =	sst s3  }
0xc: {  	[smem:$0x3FA9] =	sst s4  }
0xd: {  	[smem:$0x3FAA] =	sst s5  }
0xe: {  	[smem:$0x3FAB] =	sst s6  }
0xf: {  	[smem:$0x3FAC] =	sst s7  }
0x10: {  	[smem:$0x3FAD] =	sst s8  }
0x11: {  	[smem:$0x3FAE] =	sst s9;
	s0 =	simm.s32 @!p0 $0x0  }
0x12: {  	s1 =	sld [smem:$0x3F94];
	s0 =	simm.s32 @p0 $0x1  }
0x13: {  	[smem:$0x3FAF] =	sst s0;
	s0 =	simm.s32 @!p1 $0x0  }
0x14: {  	s2 =	sld [smem:$0x3F93];
	s0 =	simm.s32 @p1 $0x1  }
0x15: {  	[smem:$0x3FB0] =	sst s0;
	s0 =	simm.s32 @!p2 $0x0  }
0x16: {  	s3 =	sld [smem:$0x3FDB];
	s0 =	simm.s32 @p2 $0x1  }
0x17: {  	s4 =	simm.s32 $0x1BF5;
	[smem:$0x3FB2] =	sst s0  }
0x18: {  	s0 =	sld [smem:$0x3F95];
	_ =	swait.ge [sflag:s4], $0x0  }
0x19: {  	s7 =	sld [smem:$0x3F96]  }
0x1a: {  	s8 =	sadd.s32 $0xFFFFE003, lr  }
0x1b: {  	s9 =	sadd.s32 $0xFFFFFEF7, lr;
	s5 =	simm.s32 $0xFFFFFFFF;
	p2 =	slt.u32 s8, $0xFFFFF086  }
0x1c: {  	p1 =	slt.u32 s9, $0xF7A;
	s5 =	simm.s32 @!p2 $0x0  }
0x1d: {  	s5 =	simm.s32 @p1 $0x1;
	p0 =	seq.s32 s7, s2  }
0x1e: {  	s7 =	smul.u32 @!p0 $0xF7A, s2;
	p2 =	seq.s32 @!p0 s5, $0x0  }
0x1f: {  	s9 =	smul.u32 $0xF7A, s1;
	s8 =	simm.s32 @!p0 $0x1BF5;
	p2 =	por !p2, p0  }
0x20: {  	[sflag:s8] =	ssyncset.s32 @!p0 $0xFFFFF086;
	s6 =	sadd.s32 @!p0 s3, s7;
	s7 =	simm.s32 @!p0 $0x108  }
0x21: {  	s3 =	sadd.s32 s3, s9;
	s6 =	sadd.s32 @!p0 $0x88, s6;
	s7 =	simm.s32 @p2 $0x1082  }
0x22: {  	[simem:s7], [sflag:s8] =	dma.local @!p0 [hbm:s6], $0xF7A  }
0x23: {  	s9 =	sor.u32 $0xD0000000, s2;
	s6 =	simm.s32 $0x108;
	_ =	swait.ge @!p0 [sflag:s8], $0x0  }
0x24: {  	s3 =	sadd.s32 $0x88, s3;
	s6 =	simm.s32 @!p1 $0x1082;
	[sflag:s4] =	ssyncset.s32 $0xFFFFF086  }
0x25: {  	[simem:s6], [sflag:s4] =	dma.local [hbm:s3], $0xF7A  }
0x26: {  	[smem:$0x3F96] =	sst s1;
	(tag) =	ssettag s2;
	_ =	strace s9  }
0x27: {  	s1 =	sld [smem:$0x3FA6]  }
0x28: {  	s2 =	sld [smem:$0x3FA7]  }
0x29: {  	s4 =	sld [smem:$0x3FA9]  }
0x2a: {  	p0 =	seq.s32 s5, $0x0;
	s5 =	sld [smem:$0x3FAA]  }
0x2b: {  	s6 =	sld [smem:$0x3FAB]  }
0x2c: {  	s7 =	sld [smem:$0x3FAC]  }
0x2d: {  	s3 =	simm.s32 $0x108;
	s8 =	sld [smem:$0x3FAD]  }
0x2e: {  	s3 =	simm.s32 @!p0 $0x1082;
	s9 =	sld [smem:$0x3FAE]  }
0x2f: {  	lr =	sadd.s32 s0, s3;
	s0 =	sld [smem:$0x3FA5]  }
0x30: {  	s3 =	sld [smem:$0x3FA8]  }
0x31: {  	[smem:$0x3FB1] =	sst s10  }
0x32: {  	s10 =	sld [smem:$0x3FAF];
	_ =	sdelay $0x3  }
0x33: {  	p0 =	seq.s32 s10, $0x1;
	s10 =	sld [smem:$0x3FB1];
	_ =	sdelay $0x3  }
0x34: {  	[smem:$0x3FB1] =	sst s10  }
0x35: {  	s10 =	sld [smem:$0x3FB0];
	_ =	sdelay $0x3  }
0x36: {  	p1 =	seq.s32 s10, $0x1;
	s10 =	sld [smem:$0x3FB1];
	_ =	sdelay $0x3  }
0x37: {  	[smem:$0x3FB1] =	sst s10  }
0x38: {  	s10 =	sld [smem:$0x3FB2]  }
0x39: {  	_ = 	snop;
	(pc) =	sbr.ind lr, $3  }
0x3a: {  	_ = 	snop  }
0x3b: {  	_ = 	snop  }
0x3c: {  	p2 =	seq.s32 s10, $0x1;
	s10 =	sld [smem:$0x3FB1]  }
0x3d: {  	_ =	shalt  }
0x3e: {  	_ =	shalt  }
0x3f: {  	_ =	shalt  }
0x40: {  	_ =	shalt  }
0x41: {  	_ =	shalt  }
0x42: {  	_ =	shalt  }
0x43: {  	_ =	shalt  }
0x44: {  	_ =	shalt  }
0x45: {  	_ =	shalt  }
0x46: {  	_ =	shalt  }
0x47: {  	_ =	shalt  }
0x48: {  	_ =	shalt  }
0x49: {  	_ =	shalt  }
0x4a: {  	_ =	shalt  }
0x4b: {  	_ =	shalt  }
0x4c: {  	_ =	shalt  }
0x4d: {  	_ =	shalt  }
0x4e: {  	_ =	shalt  }
0x4f: {  	_ =	shalt  }
0x50: {  	_ =	shalt  }
0x51: {  	_ =	shalt  }
0x52: {  	_ =	shalt  }
0x53: {  	_ =	shalt  }
0x54: {  	_ =	shalt  }
0x55: {  	_ =	shalt  }
0x56: {  	_ =	shalt  }
0x57: {  	_ =	shalt  }
0x58: {  	_ =	shalt  }
0x59: {  	_ =	shalt  }
0x5a: {  	_ =	shalt  }
0x5b: {  	_ =	shalt  }
0x5c: {  	_ =	shalt  }
0x5d: {  	_ =	shalt  }
0x5e: {  	_ =	shalt  }
0x5f: {  	_ =	shalt  }
0x60: {  	_ =	shalt  }
0x61: {  	_ =	shalt  }
0x62: {  	_ =	shalt  }
0x63: {  	_ =	shalt  }
0x64: {  	_ =	shalt  }
0x65: {  	_ =	shalt  }
0x66: {  	_ =	shalt  }
0x67: {  	_ =	shalt  }
0x68: {  	_ =	shalt  }
0x69: {  	_ =	shalt  }
0x6a: {  	_ =	shalt  }
0x6b: {  	_ =	shalt  }
0x6c: {  	_ =	shalt  }
0x6d: {  	_ =	shalt  }
0x6e: {  	_ =	shalt  }
0x6f: {  	_ =	shalt  }
0x70: {  	_ =	shalt  }
0x71: {  	_ =	shalt  }
0x72: {  	_ =	shalt  }
0x73: {  	_ =	shalt  }
0x74: {  	_ =	shalt  }
0x75: {  	_ =	shalt  }
0x76: {  	_ =	shalt  }
0x77: {  	_ =	shalt  }
0x78: {  	_ =	shalt  }
0x79: {  	_ =	shalt  }
0x7a: {  	_ =	shalt  }
0x7b: {  	_ =	shalt  }
0x7c: {  	_ =	shalt  }
0x7d: {  	_ =	shalt  }
0x7e: {  	_ =	shalt  }
0x7f: {  	_ =	shalt  }
0x80: {  	_ =	shalt  }
0x81: {  	_ =	shalt  }
0x82: {  	_ =	shalt  }
0x83: {  	_ =	shalt  }
0x84: {  	_ =	shalt  }
0x85: {  	_ =	shalt  }
0x86: {  	_ =	shalt  }
0x87: {  	_ =	shalt  }
.Lfunc_end0:
.L_simem_size_0:
called_computation.1_lowered:
.L_overlay_start_0:
0x88: {  	s2 =	sld [smem:$0x3FD9]  }
0x89: {  	s3 =	sld [smem:$0x3FFE];
	_ =	sdelay $0x1  }
0x8a: {  	s1 =	srdreg.scid  }
0x8b: {  	s0 =	sand.u32 $0x1, s1  }
0x8c: {  	s14 =	sshll.u32 s0, $0xA;
	s2 =	sadd.s32 s3, s2  }
0x8d: {  	s2 =	sadd.s32 s2, s14  }
0x8e: {  	[smem:$0x3FBD] =	sst s2  }
0x8f: {  	_ = 	snop  }
0x90: {  	s2 =	sld [smem:$0x3FD0];
	_ =	sdelay $0x2  }
0x91: {  	s15 =	simm.s32 $0xA;
	s4 =	simm.s32 $0x10  }
0x92: {  	[smem:s4], [sflag:s15] =	dma.local [hbm:s2], $0x1  }
0x93: {  	_ =	swait.eq [sflag:s15], $0x1  }
0x94: {  	[sflag:s15] =	ssyncset.done $0x0  }
0x95: {  	s16 =	sld [smem:$0x10];
	[sflag:s15] =	ssyncadd.s32 $0xFFFFFFFF  }
0x96: {  	s17 =	sld [smem:$0x11];
	(tm) =	ssettm $0x1  }
0x97: {  	s18 =	sld [smem:$0x3FFB];
	_ =	sdelay $0x3  }
0x98: {  	_ =	strace s18  }
0x99: {  	s4 =	sld [smem:$0x3FFC];
	_ =	sdelay $0x3  }
0x9a: {  	_ =	strace s4  }
0x9b: {  	s4 =	sld [smem:$0x3FFD];
	_ =	sdelay $0x3  }
0x9c: {  	_ =	strace s4  }
0x9d: {  	_ =	strace $0x8FFFFFFF  }
0x9e: {  	s19 =	sld [smem:$0x3FDB];
	_ =	sdelay $0x1  }
0x9f: {  	s5 =	simm.s32 $_scs_section_size  }
0xa0: {  	s6 =	simm.s32 $_size__tile_overlayer_lowered;
	s7 =	simm.s32 $_tile_overlayer_lowered  }
0xa1: {  	s22 =	simm.s32 $0x1BFF;
	s21 =	sshll.u32 s7, $0x1;
	s4 =	sadd.s32 s5, s19  }
0xa2: {  	s8 =	simm.s32 $0x0;
	s20 =	sshll.u32 s6, $0x1;
	s6 =	sadd.s32 s21, s4  }
0xa3: {  	[timem:s8], [sflag:s22] =	dma.local [hbm:s6], s20  }
0xa4: {  	_ =	swait.ge [sflag:s22], s20  }
0xa5: {  	s5 =	ssub.s32 $0x0, s20;
	[sflag:s22] =	ssyncset.done $0x0  }
0xa6: {  	[sflag:s22] =	ssyncadd.s32 s5;
	_ =	sdelay $0x1  }
0xa7: {  	s23 =	simm.s32 $0x1B8B  }
0xa8: {  	_ =	swait.ge [sflag:s23], $0x1  }
0xa9: {  	[sflag:s23] =	ssyncset.done $0x0  }
0xaa: {  	s25 =	simm.s32 $0x1B8E;
	s24 =	sld [smem:$0x3FFE];
	[sflag:s23] =	ssyncadd.s32 $0xFFFFFFFF  }
0xab: {  	s26 =	simm.s32 $execute0_lowered;
	[smem:$0x3FD2] =	sst s25  }
0xac: {  	s6 =	sshll.u32 s26, $0x1;
	_ =	strace $0x80000049;
	[dreg:$0x1] =	wrdreg $0xFFFFFFFF  }
0xad: {  	s28 =	simm.s32 $_size_execute0_lowered;
	s4 =	sadd.s32 s4, s6;
	[dreg:$0x0] =	wrdreg $0x0  }
0xae: {  	s6 =	sshll.u32 s28, $0x1;
	[dreg:$0x2] =	wrdreg s4  }
0xaf: {  	[dreg:$0x3] =	wrdreg s6  }
0xb0: {  	[dreg:$0x4] =	wrdreg $0xC0  }
0xb1: {  	_ =	task [dreg:s8], $0x5FFFF  }
0xb2: {  	[dreg:$0x1] =	wrdreg $0xFFFFFFFF  }
0xb3: {  	[dreg:$0x0] =	wrdreg $0x60  }
0xb4: {  	[dreg:$0x2] =	wrdreg s24  }
0xb5: {  	[dreg:$0x3] =	wrdreg s17  }
0xb6: {  	[dreg:$0x4] =	wrdreg s16  }
0xb7: {  	[dreg:$0x5] =	wrdreg $0x9  }
0xb8: {  	_ =	task.clear_ibuf [dreg:s8], $0x6FFFF;
	_ =	strace $0x90000049  }
0xb9: {  	s29 =	simm.s32 $0x9;
	_ =	strace $0x8000004B  }
0xba: {  	_ =	swait.ge [sflag:s29], $0x1  }
0xbb: {  	[sflag:s29] =	ssyncadd.s32 $0xFFFFFFFF  }
0xbc: {  	_ =	strace $0x9000004B  }
0xbd: {  	_ =	sfence  }
0xbe: {  	s30 =	sld [smem:$0x0];
	_ =	sdelay $0x2  }
0xbf: {  	s31 =	sshll.u32 s1, $0xD;
	s1 =	sshrl.u32 s1, $0x2  }
0xc0: {  	s3 =	sand.u32 $0x4000, s31;
	s1 =	sadd.s32 s1, s30  }
0xc1: {  	s0 =	sor.u32 s3, s0;
	s1 =	sshll.u32 s1, $0x11  }
0xc2: {  	s0 =	sor.u32 s1, s0  }
0xc3: {  	s0 =	sadd.s32 $0x8F2B, s0  }
0xc4: {  	[sflag:s0] =	ssyncadd.remote.s32 $0x1  }
0xc5: {  	_ =	sfence.sel $0xFFFF  }
0xc6: {  	[dreg:$0x0] =	wrdreg $0xFFFFFFFF;
	(pc) =	sbr.abs _section_cstart, $3  }
0xc7: {  	[dreg:$0x1] =	wrdreg $0xFFFFFFFF  }
0xc8: {  	_ =	task.clear_ibuf [dreg:s8], $0x2FFFF;
	_ =	strace $0x9FFFFFFF  }
0xc9: {  	(tm) =	ssettm $0x7FFFFFFF  }
tec
execute0_lowered:
.L_overlay_start_1:
0x0: {  	(tag) =	ssettag $0x1  }
0x1: {  	s4 =	rddreg [dreg:$0x0]  }
0x2: {  	s5 =	rddreg [dreg:$0x1]  }
0x3: {  	s6 =	rddreg [dreg:$0x2]  }
0x4: {  	s0 =	rddreg [dreg:$0x3];
	s2 =	simm.s32 $0x0;
	s3 =	srdreg.scid  }
0x5: {  	s1 =	stileid.u32;
	s11 =	simm.s32 $0x80;
	s12 =	simm.s32 $0x4100  }
0x6: {  	s13 =	simm.s32 $0x6100;
	s14 =	simm.s32 $0x40;
	s15 =	simm.s32 $0x100  }
0x7: {  	s16 =	simm.s32 $0x2100;
	s17 =	simm.s32 $0x1;
	s18 =	simm.s32 $0x8100  }
0x8: {  	s19 =	simm.s32 $0x0;
	[smem:$0x7FF] =	sst s2;
	s7 =	sand.u32 $0x1, s3  }
0x9: {  	s8 =	sshll.u32 s1, $0x7;
	s3 =	sadd.s32 $0x11200, s4;
	s9 =	sshll.u32 s7, $0x6  }
0xa: {  	_ =	strace $0x8000004A;
	s7 =	ssub.s32 $0x2, s7;
	s8 =	sor.u32 s9, s8  }
0xb: {  	s10 =	sshrl.u32 s7, $0x1;
	s9 =	sshll.u32 s8, $0x4;
	s8 =	sshrl.u32 s8, $0x3  }
0xc: {  	s10 =	ssub.s32 s7, s10;
	s9 =	sadd.s32 s9, s4;
	s4 =	sadd.s32 s5, s8  }
0xd: {  	s5 =	sadd.s32 s6, s8;
	s6 =	sadd.s32 $0x1200, s9;
	s7 =	sadd.s32 $0x9200, s9  }
0xe: {  	vm0 =	vmmov $0x7f;
	s8 =	sadd.s32 $0x51200, s9;
	s9 =	smax.u32 s10, $0x1;
	s10 =	simm.s32 $0x2  }
.LBB2_1:
0xf: {  	[tilespmem:s2], [sflag:$0x2] =	stream.linear.gather [hbm4b:s4+s2], $0x40, $0x38;
	[tilespmem:$0xA100] =	vst v63  }
0x10: {  	_ =	swait.ge [sflag:s10], $0x40  }
0x11: {  	[sflag:s10] =	ssyncset.done $0x0  }
0x12: {  	[sflag:s10] =	ssyncadd.s32 $0xFFFFFFC0  }
0x13: {  	[tilespmem:s11], [sflag:$0x2] =	stream.linear.gather [hbm4b:s5+s2], $0x40, $0x38;
	[tilespmem:$0xA100] =	vst v63  }
0x14: {  	_ =	swait.ge [sflag:s10], $0x40  }
0x15: {  	[sflag:s10] =	ssyncset.done $0x0  }
0x16: {  	[sflag:s10] =	ssyncadd.s32 $0xFFFFFFC0  }
0x17: {  	[tilespmem:s12], [sflag:$0x2] =	stream.linear.gather [hbm4b:s6+s2], $0x2000, $0x38;
	[tilespmem:$0xA100] =	vst v63  }
0x18: {  	_ =	swait.ge [sflag:s10], $0x2000  }
0x19: {  	[sflag:s10] =	ssyncset.done $0x0  }
0x1a: {  	[sflag:s10] =	ssyncadd.s32 $0xFFFFE000  }
0x1b: {  	[tilespmem:s13], [sflag:$0x2] =	stream.linear.gather [hbm4b:s7+s2], $0x2000, $0x38;
	[tilespmem:$0xA100] =	vst v63  }
0x1c: {  	_ =	swait.ge [sflag:s10], $0x2000  }
0x1d: {  	[sflag:s10] =	ssyncset.done $0x0  }
0x1e: {  	[sflag:s10] =	ssyncadd.s32 $0xFFFFE000  }
0x1f: {  	[tilespmem:s15], [sflag:$0x1] =	stream.indirect.gather [hbm4b:s3+s14], $0x80, s2, s14, $0xb8;
	[tilespmem:$0xA100] =	vst v63  }
0x20: {  	_ = 	snop  }
0x21: {  	[tilespmem:s16], [sflag:$0x1] =	stream.indirect.gather [hbm4b:s3+s14], $0x80, s11, s14, $0xb8;
	[tilespmem:$0xA100] =	vst v63  }
0x22: {  	_ =	swait.ge [sflag:s17], $0x2000  }
0x23: {  	[sflag:s17] =	ssyncset.done $0x0  }
0x24: {  	[sflag:s17] =	ssyncadd.s32 $0xFFFFE000  }
0x25: {  	_ =	swait.ge [sflag:s17], $0x2000  }
0x26: {  	[sflag:s17] =	ssyncset.done $0x0  }
0x27: {  	s22 =	simm.s32 $0x0;
	[sflag:s17] =	ssyncadd.s32 $0xFFFFE000  }
0x28: {  	v5 =	vld [tilespmem:s22+$0x4100]  }
0x29: {  	v7 =	vld [tilespmem:s22+$0x6100]  }
0x2a: {  	v4 =	vld [tilespmem:s22+$0x110]  }
0x2b: {  	v6 =	vld [tilespmem:s22+$0x2110]  }
0x2c: {  	s20 =	simm.s32 $0x80  }
0x2d: {  	v1 =	vld [tilespmem:s20+$0x4100]  }
0x2e: {  	v0 =	vld [tilespmem:s20+$0x6100]  }
0x2f: {  	v8 =	vld [tilespmem:s20+$0x110]  }
0x30: {  	v9 =	vld [tilespmem:s20+$0x2110];
	v4 =	vmul.f32 v4, v5;
	v13 =	vmul.f32 v6, v7;
	_ =	sdelay $0x1  }
0x31: {  	v10 =	vld [tilespmem:s22+$0x100];
	v13 =	vadd.f32 v13, v4  }
0x32: {  	s21 =	simm.s32 $0x100;
	v11 =	vld [tilespmem:s22+$0x2100]  }
0x33: {  	v2 =	vld [tilespmem:s21+$0x4100];
	v13 =	vadd.f32 $9.999999930e-09, v13  }
0x34: {  	v12 =	vld [tilespmem:s21+$0x110];
	v15 =	vmul.f32 v8, v1;
	v9 =	vmul.f32 v9, v0  }
0x35: {  	v3 =	vld [tilespmem:s21+$0x6100];
	(erf) = vrcp.f32 v13  }
0x36: {  	v14 =	vld [tilespmem:s21+$0x2110];
	v9 =	vadd.f32 v9, v15  }
0x37: {  	v6 =	vld [tilespmem:s20+$0x100]  }
0x38: {  	s23 =	simm.s32 $0x180;
	v8 =	vld [tilespmem:s20+$0x2100];
	v16 =	vadd.f32 $9.999999930e-09, v9  }
0x39: {  	v12 =	vmul.f32 v12, v2;
	v4 =	vld [tilespmem:s23+$0x4100]  }
0x3a: {  	v15 =	vmul.f32 v10, v5;
	v5 =	vld [tilespmem:s23+$0x6100];
	(erf) = vrcp.f32 v16  }
0x3b: {  	v11 =	vmul.f32 v11, v7;
	v14 =	vmul.f32 v14, v3;
	v9 =	vld [tilespmem:s23+$0x110]  }
0x3c: {  	v10 =	vld [tilespmem:s23+$0x2110]  }
0x3d: {  	s24 =	simm.s32 $0x800;
	v7 =	vld [tilespmem:s21+$0x100];
	v12 =	vadd.f32 v14, v12;
	v11 =	vadd.f32 v11, v15  }
.LBB2_2:
0x3e: {  	s25 =	sshra.s32 s24, $0x2;
	v13 =	vld [tilespmem:s21+$0x2100];
	v14 =	vpop (erf);
	p0 =	sne.s32 s24, $0x7E00  }
.Ltmp0:
0x3f: {  	v15 =	vmul.f32 v6, v1;
	v1 =	vmovc v2;
	v2 =	vmovc v4;
	v12 =	vadd.f32 $9.999999930e-09, v12;
	v18 =	vmul.f32 v14, v11;
	v4 =	vld [tilespmem:s25+$0x4100];
	(pc) =	sbr.rel @p0 .LBB2_2-.Ltmp0, $4  }
0x40: {  	v17 =	vmul.f32 v8, v0;
	v0 =	vmovc v3;
	v3 =	vmov v5;
	v14 =	vmul.f32 v9, v2;
	v5 =	vld [tilespmem:s25+$0x6100]  }
0x41: {  	s24 =	sadd.s32 $0x200, s24;
	v9 =	vld [tilespmem:s25+$0x110];
	v16 =	vmul.f32 v10, v3;
	(erf) = vrcp.f32 v12;
	v11 =	vsel vm0, v18, v11  }
0x42: {  	v10 =	vld [tilespmem:s25+$0x2110];
	[tilespmem:s22+$0x8100] =	vst v11;
	v6 =	vmov v7;
	s22 =	smov.u32 s20;
	s20 =	smov.u32 s21;
	s21 =	smov.u32 s23  }
0x43: {  	v11 =	vadd.f32 v17, v15;
	s23 =	smov.u32 s25;
	v7 =	vld [tilespmem:s21+$0x100];
	v12 =	vadd.f32 v16, v14;
	v8 =	vmov v13  }
0x44: {  	_ =	sdelay $0x2  }
0x45: {  	v9 =	vmul.f32 v9, v4;
	v10 =	vmul.f32 v10, v5  }
0x46: {  	v13 =	vpop (erf)  }
0x47: {  	v13 =	vmul.f32 v13, v11;
	v9 =	vadd.f32 v10, v9  }
0x48: {  	v50 =	vadd.f32 $9.999999930e-09, v12  }
0x49: {  	v11 =	vsel vm0, v13, v11;
	v9 =	vadd.f32 $9.999999930e-09, v9  }
0x4a: {  	v51 =	vld [tilespmem:s21+$0x2100];
	(erf) = vrcp.f32 v50;
	[tilespmem:s22+$0x8100] =	vst v11  }
0x4b: {  	v52 =	vld [tilespmem:s23+$0x100];
	(erf) = vrcp.f32 v9  }
0x4c: {  	v53 =	vld [tilespmem:s23+$0x2100];
	_ =	sdelay $0x2  }
0x4d: {  	v1 =	vmul.f32 v6, v1;
	v0 =	vmul.f32 v8, v0  }
0x4e: {  	v2 =	vmul.f32 v7, v2;
	v3 =	vmul.f32 v51, v3  }
0x4f: {  	v0 =	vadd.f32 v0, v1;
	v54 =	vmul.f32 v52, v4;
	v55 =	vmul.f32 v53, v5  }
0x50: {  	v56 =	vpop (erf);
	v2 =	vadd.f32 v3, v2  }
0x51: {  	v57 =	vmul.f32 v56, v0;
	v58 =	vpop (erf);
	v1 =	vadd.f32 v55, v54  }
0x52: {  	v59 =	vmul.f32 v58, v2;
	v60 =	vpop (erf)  }
0x53: {  	v0 =	vsel vm0, v57, v0;
	v61 =	vmul.f32 v60, v1  }
0x54: {  	s19 =	sadd.s32 $0x1, s19;
	[tilespmem:s20+$0x8100] =	vst v0;
	v62 =	vsel vm0, v59, v2  }
0x55: {  	p0 =	sne.s32 s19, s9;
	[tilespmem:s21+$0x8100] =	vst v62;
	v63 =	vsel vm0, v61, v1  }
.Ltmp1:
0x56: {  	[tilespmem:s23+$0x8100] =	vst v63;
	(pc) =	sbr.rel @p0 .LBB2_1-.Ltmp1, $4  }
0x57: {  	[hbm4b:s8+s2] =	stream.linear.scatter [tilespmem:s18], [sflag:$0x2], $0x2000, $0x38;
	[tilespmem:$0xA100] =	vst v63  }
0x58: {  	_ =	swait.ge [sflag:s10], $0x2000  }
0x59: {  	[sflag:s10] =	ssyncset.done $0x0  }
0x5a: {  	[sflag:s10] =	ssyncadd.s32 $0xFFFFE000  }
0x5b: {  	_ =	sfence.sel $0x180000  }
0x5c: {  	[bflag:$0x0] =	sbarrier.arrive $0xFFFF  }
0x5d: {  	p0 =	sne.s32 s1, $0x0;
	_ =	strace $0x9000004A  }
0x5e: {  	s0 =	sadd.s32 @!p0 $0x100000, s0;
	[bflag:$0x2] =	sbarrier.arrive $0xFFFF  }
0x5f: {  	[sflag:s0] =	ssyncadd.tile.s32 @!p0 $0x1;
	_ =	shalt  }
.Lfunc_end2:
_tile_overlayer_lowered:
.L_overlay_start_2:
0x60: {  	(tag) =	ssettag $0x2  }
0x61: {  	s0 =	rddreg [dreg:$0x0];
	s2 =	stileid.u32  }
0x62: {  	s1 =	rddreg [dreg:$0x1];
	p0 =	sne.s32 s2, $0x0  }
0x63: {  	s3 =	rddreg [dreg:$0x2];
	[bflag:$0x3] =	sbarrier.arrive $0xFFFF;
	s2 =	simm.s32 @!p0 $0x1C02  }
0x64: {  	[timem:s3], [sflag:s2] =	dma.local @!p0 [hbm:s0], s1  }
0x65: {  	s0 =	simm.s32 @!p0 $0x2  }
0x66: {  	_ =	swait.ge @!p0 [sflag:s0], s1  }
0x67: {  	s1 =	ssub.s32 @!p0 $0x0, s1;
	[sflag:s0] =	ssyncset.done @!p0 $0x0  }
0x68: {  	[sflag:s0] =	ssyncadd.s32 @!p0 s1  }
0x69: {  	[bflag:$0x3] =	sbarrier.arrive $0xFFFF  }
0x6a: {  	_ =	shalt  }

</sc_bundles>
